<compile_context>
chip_gen: v7x
topology: tpu7x:2x2x1
jax: 0.10.2.dev20260603
libtpu: 0.0.44.dev20260713+nightly
codegen_flags: <defaults>
</compile_context>

<pallas_src>
import functools

import jax
import jax.numpy as jnp
from jax import lax
from jax.experimental import pallas as pl
from jax.experimental.pallas import tpu as pltpu
from jax.experimental.pallas import tpu_sc as plsc

_N = 10000
_C = 128
_E = 320000

_NW = 32
_CHUNK = 128
_PHASE = 40
_NPHASE = 2
_CHUNKS = _PHASE * _NPHASE
_EPW = _CHUNK * _CHUNKS
_EPAD = _NW * _EPW
_RPT = 632
_NPAD = 16 * _RPT

_BLK = 1000


def _make_sc_agg():
    mesh = plsc.VectorSubcoreMesh(core_axis_name="c", subcore_axis_name="s")

    @functools.partial(
        pl.kernel,
        mesh=mesh,
        out_type=jax.ShapeDtypeStruct((2, _NPAD, _C), jnp.float32),
        scratch_types=[
            pltpu.VMEM((_PHASE, _CHUNK), jnp.int32),
            pltpu.VMEM((_PHASE, _CHUNK), jnp.int32),
            pltpu.VMEM((_CHUNK, _C), jnp.float32),
            pltpu.VMEM((_CHUNK, _C), jnp.float32),
            pltpu.VMEM_SHARED((_NPAD, _C), jnp.float32),
            pltpu.SemaphoreType.DMA,
            pltpu.SemaphoreType.DMA,
        ],
    )
    def sc_agg(x_hbm, src_hbm, dst_hbm, zeros_hbm, out_hbm,
               sidx, didx, rows0, rows1, acc, sem0, sem1):
        cid = lax.axis_index("c")
        sid = lax.axis_index("s")
        wid = cid * 16 + sid
        pltpu.sync_copy(zeros_hbm, acc.at[pl.ds(sid * _RPT, _RPT)])
        plsc.subcore_barrier()

        for p in range(_NPHASE):
            pltpu.sync_copy(src_hbm.at[wid, pl.ds(p * _PHASE, _PHASE)], sidx)
            pltpu.sync_copy(dst_hbm.at[wid, pl.ds(p * _PHASE, _PHASE)], didx)
            pltpu.async_copy(x_hbm.at[sidx.at[0]], rows0, sem0)
            pltpu.async_copy(x_hbm.at[sidx.at[1]], rows1, sem1)

            def body(i, carry):
                j = 2 * i
                pltpu.make_async_copy(x_hbm.at[sidx.at[j]], rows0, sem0).wait()
                pltpu.sync_copy(rows0, acc.at[didx.at[j]], add=True)

                @pl.when(j + 2 < _PHASE)
                def _():
                    pltpu.async_copy(x_hbm.at[sidx.at[j + 2]], rows0, sem0)

                pltpu.make_async_copy(
                    x_hbm.at[sidx.at[j + 1]], rows1, sem1).wait()
                pltpu.sync_copy(rows1, acc.at[didx.at[j + 1]], add=True)

                @pl.when(j + 3 < _PHASE)
                def _():
                    pltpu.async_copy(x_hbm.at[sidx.at[j + 3]], rows1, sem1)
                return carry

            lax.fori_loop(0, _PHASE // 2, body, 0)
        plsc.subcore_barrier()
        pltpu.sync_copy(acc.at[pl.ds(sid * _RPT, _RPT)],
                        out_hbm.at[cid, pl.ds(sid * _RPT, _RPT)])

    return sc_agg


_sc_agg = _make_sc_agg()


def _tc_layer1_body(p0, p1, xb, wrel, wroot, b, o):
    agg = p0[0] + p1[0]
    o[...] = jnp.maximum(
        jnp.dot(agg, wrel[...].T, preferred_element_type=jnp.float32)
        + jnp.dot(xb[...], wroot[...].T, preferred_element_type=jnp.float32)
        + b[...], 0.0)


def _tc_layer2_body(q0, q1, x1b, wrel, wroot, b2, w3, b3, w4, b4,
                    w5, b5, o):
    agg = q0[0] + q1[0]
    x2 = jnp.maximum(
        jnp.dot(agg, wrel[...].T, preferred_element_type=jnp.float32)
        + jnp.dot(x1b[...], wroot[...].T, preferred_element_type=jnp.float32)
        + b2[...], 0.0)
    w3v = w3[...]
    h = jnp.maximum(
        jnp.dot(x1b[...], w3v[:, :_C].T, preferred_element_type=jnp.float32)
        + jnp.dot(x2, w3v[:, _C:].T, preferred_element_type=jnp.float32)
        + b3[...], 0.0)
    h = jnp.maximum(
        jnp.dot(h, w4[...].T, preferred_element_type=jnp.float32)
        + b4[...], 0.0)
    o[...] = jnp.dot(h, w5[...].T, preferred_element_type=jnp.float32) + b5[...]


def _row_spec(cols):
    return pl.BlockSpec((_BLK, cols), lambda i: (i, 0))


def _part_spec(k):
    return pl.BlockSpec((1, _BLK, _C), lambda i, _k=k: (_k, i, 0))


def _full_spec(r, c):
    return pl.BlockSpec((r, c), lambda i: (0, 0))


def _tc_layer1(parts, x, wrel, wroot, b):
    return pl.pallas_call(
        _tc_layer1_body,
        grid=(_N // _BLK,),
        in_specs=[
            _part_spec(0), _part_spec(1), _row_spec(_C),
            _full_spec(_C, _C), _full_spec(_C, _C), _full_spec(1, _C),
        ],
        out_specs=_row_spec(_C),
        out_shape=jax.ShapeDtypeStruct((_N, _C), jnp.float32),
    )(parts, parts, x, wrel, wroot, b)


def _tc_layer2(parts, x1, wrel, wroot, b2, w3, b3, w4, b4, w5, b5):
    return pl.pallas_call(
        _tc_layer2_body,
        grid=(_N // _BLK,),
        in_specs=[
            _part_spec(0), _part_spec(1), _row_spec(_C),
            _full_spec(_C, _C), _full_spec(_C, _C), _full_spec(1, _C),
            _full_spec(64, 2 * _C), _full_spec(1, 64),
            _full_spec(32, 64), _full_spec(1, 32),
            _full_spec(16, 32), _full_spec(1, 16),
        ],
        out_specs=_row_spec(16),
        out_shape=jax.ShapeDtypeStruct((_N, 16), jnp.float32),
    )(parts, parts, x1, wrel, wroot, b2, w3, b3, w4, b4, w5, b5)


def kernel(x, edge_index, W1_rel, b1_rel, W1_root, W2_rel, b2_rel, W2_root,
           W3, b3, W4, b4, W5, b5):
    src = edge_index[0]
    dst = edge_index[1]
    pad = _EPAD - _E
    pad_idx = jnp.arange(pad, dtype=jnp.int32)
    src_p = jnp.concatenate([src, pad_idx % _N])
    dst_p = jnp.concatenate([dst, _N + pad_idx % (_NPAD - _N)])
    src_r = src_p.reshape(_NW, _CHUNKS, _CHUNK)
    dst_r = dst_p.reshape(_NW, _CHUNKS, _CHUNK)
    zeros = jnp.zeros((_RPT, _C), jnp.float32)

    parts1 = _sc_agg(x, src_r, dst_r, zeros)
    x1 = _tc_layer1(parts1, x, W1_rel, W1_root, b1_rel[None, :])

    parts2 = _sc_agg(x1, src_r, dst_r, zeros)
    out = _tc_layer2(parts2, x1,
                     W2_rel, W2_root, b2_rel[None, :],
                     W3, b3[None, :],
                     W4, b4[None, :], W5, b5[None, :])
    return out

# --- scband reference (transcript-rebuilt; emitter-appended) ---
"""Pipeline reference for scband-model-gnnmulti-layer-31361851196080 (READ-ONLY COPY).

The authoritative reference and input builder live on the scoring server;
editing this copy changes nothing except your own understanding.
"""

import jax, jax.numpy as jnp
import numpy as np

N = 10000
E = 320000
C = 128


def setup_inputs(seed: int = 0) -> dict:
    key = jax.random.key(seed)
    ks = jax.random.split(key, 16)
    x = jax.random.normal(ks[0], (N, C), dtype=jnp.float32)
    edge_index = jax.random.randint(ks[1], (2, E), 0, N)
    s = 0.05
    W1_rel = jax.random.normal(ks[2], (C, C), dtype=jnp.float32) * s
    b1_rel = jax.random.normal(ks[3], (C,), dtype=jnp.float32) * s
    W1_root = jax.random.normal(ks[4], (C, C), dtype=jnp.float32) * s
    W2_rel = jax.random.normal(ks[5], (C, C), dtype=jnp.float32) * s
    b2_rel = jax.random.normal(ks[6], (C,), dtype=jnp.float32) * s
    W2_root = jax.random.normal(ks[7], (C, C), dtype=jnp.float32) * s
    W3 = jax.random.normal(ks[8], (64, 2 * C), dtype=jnp.float32) * s
    b3 = jax.random.normal(ks[9], (64,), dtype=jnp.float32) * s
    W4 = jax.random.normal(ks[10], (32, 64), dtype=jnp.float32) * s
    b4 = jax.random.normal(ks[11], (32,), dtype=jnp.float32) * s
    W5 = jax.random.normal(ks[12], (16, 32), dtype=jnp.float32) * s
    b5 = jax.random.normal(ks[13], (16,), dtype=jnp.float32) * s
    return {"x": x, "edge_index": edge_index, "W1_rel": W1_rel, "b1_rel": b1_rel, "W1_root": W1_root, "W2_rel": W2_rel, "b2_rel": b2_rel, "W2_root": W2_root, "W3": W3, "b3": b3, "W4": W4, "b4": b4, "W5": W5, "b5": b5}


def graph_conv(x, edge_index, W_rel, b_rel, W_root):
    # PyG GraphConv: out = lin_rel(sum_{j in N(i)} x_j) + lin_root(x); lin_root has no bias
    src = edge_index[0]
    dst = edge_index[1]
    msgs = jnp.take(x, src, axis=0)
    agg = jax.ops.segment_sum(msgs, dst, num_segments=x.shape[0])
    return agg @ W_rel.T + b_rel + x @ W_root.T


def reference(x, edge_index, W1_rel, b1_rel, W1_root, W2_rel, b2_rel, W2_root, W3, b3, W4, b4, W5, b5):
    # Dropout(p=0.2) in eval mode -> identity
    x1 = jax.nn.relu(graph_conv(x, edge_index, W1_rel, b1_rel, W1_root))
    x2 = jax.nn.relu(graph_conv(x1, edge_index, W2_rel, b2_rel, W2_root))
    # JumpingKnowledge('cat')
    h = jnp.concatenate([x1, x2], axis=1)
    h = jax.nn.relu(h @ W3.T + b3)
    h = jax.nn.relu(h @ W4.T + b4)
    out = h @ W5.T + b5
    return out

if __name__ == "__main__":
    import jax
    _d = setup_inputs()
    print(jax.jit(kernel)(*tuple(_d.values())))

</pallas_src>

<mosaic_0001>
#map = affine_map<(d0, d1) -> (0, 0)>
#map1 = affine_map<(d0, d1) -> (0, 0, 0)>
module attributes {stable_mosaic.version = 14 : i64} {
  func.func @sc_agg(%arg0: i32, %arg1: i32, %arg2: memref<10000x128xf32, #tpu.memory_space<hbm>>, %arg3: memref<32x80x128xi32, #tpu.memory_space<hbm>>, %arg4: memref<32x80x128xi32, #tpu.memory_space<hbm>>, %arg5: memref<632x128xf32, #tpu.memory_space<hbm>>, %arg6: memref<2x10112x128xf32, #tpu.memory_space<hbm>>, %arg7: memref<40x128xi32, #tpu.memory_space<vmem>>, %arg8: memref<40x128xi32, #tpu.memory_space<vmem>>, %arg9: memref<128x128xf32, #tpu.memory_space<vmem>>, %arg10: memref<128x128xf32, #tpu.memory_space<vmem>>, %arg11: memref<10112x128xf32, #tpu.memory_space<vmem_shared>>, %arg12: memref<!tpu.dma_semaphore, #tpu.memory_space<semaphore_mem>>, %arg13: memref<!tpu.dma_semaphore, #tpu.memory_space<semaphore_mem>>) attributes {dimension_semantics = [#tpu.dimension_semantics<core_parallel>, #tpu.dimension_semantics<subcore_parallel>], iteration_bounds = array<i64: 2, 16>, scalar_prefetch = 0 : i64, scratch_operands = 7 : i64, tpu.core_type = #tpu.core_type<sc_vector_subcore>, window_params = [{transform_indices = #map}, {transform_indices = #map1}, {transform_indices = #map1}, {transform_indices = #map}, {transform_indices = #map1}]} {
    %mul3A = arith.constant 16 : i32
    %mul3A_0 = arith.muli %arg0, %mul3A : i32
    %add3A = arith.addi %mul3A_0, %arg1 : i32
    %mul3A_1 = arith.constant 632 : i32
    %mul3A_2 = arith.muli %arg1, %mul3A_1 : i32
    "tpu.region"() ({
      %run_scoped3A = tpu.sem_alloc : memref<!tpu.dma_semaphore, #tpu.memory_space<semaphore_mem>>
      %dma_start3A_46 = arith.constant 0 : i32
      %dma_start3A_47 = tpu.memref_slice %arg11[%mul3A_2, %dma_start3A_46] : memref<10112x128xf32, #tpu.memory_space<vmem_shared>> -> memref<632x128xf32, #tpu.memory_space<vmem_shared>>
      tpu.enqueue_dma source(%arg5 : memref<632x128xf32, #tpu.memory_space<hbm>>) target(%dma_start3A_47 : memref<632x128xf32, #tpu.memory_space<vmem_shared>>) target_semaphore(%run_scoped3A : memref<!tpu.dma_semaphore, #tpu.memory_space<semaphore_mem>>)
      %dma_wait3A = arith.constant 0 : i32
      %dma_wait3A_48 = tpu.memref_slice %arg11[%mul3A_2, %dma_wait3A] : memref<10112x128xf32, #tpu.memory_space<vmem_shared>> -> memref<632x128xf32, #tpu.memory_space<vmem_shared>>
      tpu.wait_dma2 semaphore(%run_scoped3A : memref<!tpu.dma_semaphore, #tpu.memory_space<semaphore_mem>>) src(%arg5 : memref<632x128xf32, #tpu.memory_space<hbm>>) dst(%dma_wait3A_48 : memref<632x128xf32, #tpu.memory_space<vmem_shared>>)
      tpu.yield
    }) : () -> ()
    %barrier3A = arith.constant 0 : index
    tpu.barrier barrier_id(%barrier3A)
    "tpu.region"() ({
      %run_scoped3A = tpu.sem_alloc : memref<!tpu.dma_semaphore, #tpu.memory_space<semaphore_mem>>
      %dma_start3A_46 = arith.constant 0 : i32
      %dma_start3A_47 = arith.constant 0 : i32
      %dma_start3A_48 = tpu.memref_slice %arg3[%add3A, %dma_start3A_46, %dma_start3A_47] : memref<32x80x128xi32, #tpu.memory_space<hbm>> -> memref<1x40x128xi32, #tpu.memory_space<hbm>>
      %dma_start3A_49 = tpu.memref_squeeze %dma_start3A_48 : memref<1x40x128xi32, #tpu.memory_space<hbm>> -> memref<40x128xi32, #tpu.memory_space<hbm>>
      %dma_start3A_50 = arith.constant 0 : i32
      %dma_start3A_51 = arith.constant 0 : i32
      %dma_start3A_52 = tpu.memref_slice %arg3[%add3A, %dma_start3A_50, %dma_start3A_51] : memref<32x80x128xi32, #tpu.memory_space<hbm>> -> memref<1x40x128xi32, #tpu.memory_space<hbm>>
      %dma_start3A_53 = tpu.memref_squeeze %dma_start3A_52 : memref<1x40x128xi32, #tpu.memory_space<hbm>> -> memref<40x128xi32, #tpu.memory_space<hbm>>
      tpu.enqueue_dma source(%dma_start3A_53 : memref<40x128xi32, #tpu.memory_space<hbm>>) target(%arg7 : memref<40x128xi32, #tpu.memory_space<vmem>>) target_semaphore(%run_scoped3A : memref<!tpu.dma_semaphore, #tpu.memory_space<semaphore_mem>>)
      %dma_wait3A = arith.constant 0 : i32
      %dma_wait3A_54 = arith.constant 0 : i32
      %dma_wait3A_55 = tpu.memref_slice %arg3[%add3A, %dma_wait3A, %dma_wait3A_54] : memref<32x80x128xi32, #tpu.memory_space<hbm>> -> memref<1x40x128xi32, #tpu.memory_space<hbm>>
      %dma_wait3A_56 = tpu.memref_squeeze %dma_wait3A_55 : memref<1x40x128xi32, #tpu.memory_space<hbm>> -> memref<40x128xi32, #tpu.memory_space<hbm>>
      %dma_wait3A_57 = arith.constant 0 : i32
      %dma_wait3A_58 = arith.constant 0 : i32
      %dma_wait3A_59 = tpu.memref_slice %arg3[%add3A, %dma_wait3A_57, %dma_wait3A_58] : memref<32x80x128xi32, #tpu.memory_space<hbm>> -> memref<1x40x128xi32, #tpu.memory_space<hbm>>
      %dma_wait3A_60 = tpu.memref_squeeze %dma_wait3A_59 : memref<1x40x128xi32, #tpu.memory_space<hbm>> -> memref<40x128xi32, #tpu.memory_space<hbm>>
      tpu.wait_dma2 semaphore(%run_scoped3A : memref<!tpu.dma_semaphore, #tpu.memory_space<semaphore_mem>>) src(%dma_wait3A_60 : memref<40x128xi32, #tpu.memory_space<hbm>>) dst(%arg7 : memref<40x128xi32, #tpu.memory_space<vmem>>)
      tpu.yield
    }) : () -> ()
    "tpu.region"() ({
      %run_scoped3A = tpu.sem_alloc : memref<!tpu.dma_semaphore, #tpu.memory_space<semaphore_mem>>
      %dma_start3A_46 = arith.constant 0 : i32
      %dma_start3A_47 = arith.constant 0 : i32
      %dma_start3A_48 = tpu.memref_slice %arg4[%add3A, %dma_start3A_46, %dma_start3A_47] : memref<32x80x128xi32, #tpu.memory_space<hbm>> -> memref<1x40x128xi32, #tpu.memory_space<hbm>>
      %dma_start3A_49 = tpu.memref_squeeze %dma_start3A_48 : memref<1x40x128xi32, #tpu.memory_space<hbm>> -> memref<40x128xi32, #tpu.memory_space<hbm>>
      %dma_start3A_50 = arith.constant 0 : i32
      %dma_start3A_51 = arith.constant 0 : i32
      %dma_start3A_52 = tpu.memref_slice %arg4[%add3A, %dma_start3A_50, %dma_start3A_51] : memref<32x80x128xi32, #tpu.memory_space<hbm>> -> memref<1x40x128xi32, #tpu.memory_space<hbm>>
      %dma_start3A_53 = tpu.memref_squeeze %dma_start3A_52 : memref<1x40x128xi32, #tpu.memory_space<hbm>> -> memref<40x128xi32, #tpu.memory_space<hbm>>
      tpu.enqueue_dma source(%dma_start3A_53 : memref<40x128xi32, #tpu.memory_space<hbm>>) target(%arg8 : memref<40x128xi32, #tpu.memory_space<vmem>>) target_semaphore(%run_scoped3A : memref<!tpu.dma_semaphore, #tpu.memory_space<semaphore_mem>>)
      %dma_wait3A = arith.constant 0 : i32
      %dma_wait3A_54 = arith.constant 0 : i32
      %dma_wait3A_55 = tpu.memref_slice %arg4[%add3A, %dma_wait3A, %dma_wait3A_54] : memref<32x80x128xi32, #tpu.memory_space<hbm>> -> memref<1x40x128xi32, #tpu.memory_space<hbm>>
      %dma_wait3A_56 = tpu.memref_squeeze %dma_wait3A_55 : memref<1x40x128xi32, #tpu.memory_space<hbm>> -> memref<40x128xi32, #tpu.memory_space<hbm>>
      %dma_wait3A_57 = arith.constant 0 : i32
      %dma_wait3A_58 = arith.constant 0 : i32
      %dma_wait3A_59 = tpu.memref_slice %arg4[%add3A, %dma_wait3A_57, %dma_wait3A_58] : memref<32x80x128xi32, #tpu.memory_space<hbm>> -> memref<1x40x128xi32, #tpu.memory_space<hbm>>
      %dma_wait3A_60 = tpu.memref_squeeze %dma_wait3A_59 : memref<1x40x128xi32, #tpu.memory_space<hbm>> -> memref<40x128xi32, #tpu.memory_space<hbm>>
      tpu.wait_dma2 semaphore(%run_scoped3A : memref<!tpu.dma_semaphore, #tpu.memory_space<semaphore_mem>>) src(%dma_wait3A_60 : memref<40x128xi32, #tpu.memory_space<hbm>>) dst(%arg8 : memref<40x128xi32, #tpu.memory_space<vmem>>)
      tpu.yield
    }) : () -> ()
    %dma_start3A = arith.constant 0 : i32
    %dma_start3A_3 = arith.constant 0 : i32
    %dma_start3A_4 = tpu.memref_slice %arg7[%dma_start3A, %dma_start3A_3] : memref<40x128xi32, #tpu.memory_space<vmem>> -> memref<1x128xi32, #tpu.memory_space<vmem>>
    %dma_start3A_5 = tpu.memref_squeeze %dma_start3A_4 : memref<1x128xi32, #tpu.memory_space<vmem>> -> memref<128xi32, #tpu.memory_space<vmem>>
    %dma_start3A_6 = arith.constant 0 : i32
    %dma_start3A_7 = arith.constant 0 : i32
    %dma_start3A_8 = tpu.memref_slice %arg2[%dma_start3A_6, %dma_start3A_7] : memref<10000x128xf32, #tpu.memory_space<hbm>> -> memref<10000x128xf32, #tpu.memory_space<hbm>>
    tpu.enqueue_indirect_dma source(%dma_start3A_8 : memref<10000x128xf32, #tpu.memory_space<hbm>>) target(%arg9 : memref<128x128xf32, #tpu.memory_space<vmem>>) offsets(%dma_start3A_5 : memref<128xi32, #tpu.memory_space<vmem>>) semaphore(%arg12 : memref<!tpu.dma_semaphore, #tpu.memory_space<semaphore_mem>>)
    %dma_start3A_9 = arith.constant 1 : i32
    %dma_start3A_10 = arith.constant 0 : i32
    %dma_start3A_11 = tpu.memref_slice %arg7[%dma_start3A_9, %dma_start3A_10] : memref<40x128xi32, #tpu.memory_space<vmem>> -> memref<1x128xi32, #tpu.memory_space<vmem>>
    %dma_start3A_12 = tpu.memref_squeeze %dma_start3A_11 : memref<1x128xi32, #tpu.memory_space<vmem>> -> memref<128xi32, #tpu.memory_space<vmem>>
    %dma_start3A_13 = arith.constant 0 : i32
    %dma_start3A_14 = arith.constant 0 : i32
    %dma_start3A_15 = tpu.memref_slice %arg2[%dma_start3A_13, %dma_start3A_14] : memref<10000x128xf32, #tpu.memory_space<hbm>> -> memref<10000x128xf32, #tpu.memory_space<hbm>>
    tpu.enqueue_indirect_dma source(%dma_start3A_15 : memref<10000x128xf32, #tpu.memory_space<hbm>>) target(%arg10 : memref<128x128xf32, #tpu.memory_space<vmem>>) offsets(%dma_start3A_12 : memref<128xi32, #tpu.memory_space<vmem>>) semaphore(%arg13 : memref<!tpu.dma_semaphore, #tpu.memory_space<semaphore_mem>>)
    %scan3A = arith.constant 0 : i32
    %scan3A_16 = arith.constant 0 : i32
    %scan3A_17 = arith.constant 20 : i32
    %scan3A_18 = arith.addi %scan3A_16, %scan3A_17 : i32
    %scan3A_19 = arith.constant 1 : i32
    scf.for %scan3A_46 = %scan3A_16 to %scan3A_18 step %scan3A_19  : i32 {
      %mul3A_47 = arith.constant 2 : i32
      %mul3A_48 = arith.muli %mul3A_47, %scan3A_46 : i32
      %dma_wait3A = arith.constant 0 : i32
      %dma_wait3A_49 = tpu.memref_slice %arg7[%mul3A_48, %dma_wait3A] : memref<40x128xi32, #tpu.memory_space<vmem>> -> memref<1x128xi32, #tpu.memory_space<vmem>>
      %dma_wait3A_50 = tpu.memref_squeeze %dma_wait3A_49 : memref<1x128xi32, #tpu.memory_space<vmem>> -> memref<128xi32, #tpu.memory_space<vmem>>
      %dma_wait3A_51 = arith.constant 0 : i32
      %dma_wait3A_52 = arith.constant 0 : i32
      %dma_wait3A_53 = tpu.memref_slice %arg2[%dma_wait3A_51, %dma_wait3A_52] : memref<10000x128xf32, #tpu.memory_space<hbm>> -> memref<10000x128xf32, #tpu.memory_space<hbm>>
      tpu.wait_indirect_dma semaphore(%arg12 : memref<!tpu.dma_semaphore, #tpu.memory_space<semaphore_mem>>) src(%dma_wait3A_53 : memref<10000x128xf32, #tpu.memory_space<hbm>>) dst(%arg9 : memref<128x128xf32, #tpu.memory_space<vmem>>)
      "tpu.region"() ({
        %run_scoped3A = tpu.sem_alloc : memref<!tpu.dma_semaphore, #tpu.memory_space<semaphore_mem>>
        %dma_start3A_75 = arith.constant 0 : i32
        %dma_start3A_76 = tpu.memref_slice %arg8[%mul3A_48, %dma_start3A_75] : memref<40x128xi32, #tpu.memory_space<vmem>> -> memref<1x128xi32, #tpu.memory_space<vmem>>
        %dma_start3A_77 = tpu.memref_squeeze %dma_start3A_76 : memref<1x128xi32, #tpu.memory_space<vmem>> -> memref<128xi32, #tpu.memory_space<vmem>>
        %dma_start3A_78 = arith.constant 0 : i32
        %dma_start3A_79 = arith.constant 0 : i32
        %dma_start3A_80 = tpu.memref_slice %arg11[%dma_start3A_78, %dma_start3A_79] : memref<10112x128xf32, #tpu.memory_space<vmem_shared>> -> memref<10112x128xf32, #tpu.memory_space<vmem_shared>>
        tpu.enqueue_indirect_dma source(%arg9 : memref<128x128xf32, #tpu.memory_space<vmem>>) target(%dma_start3A_80 : memref<10112x128xf32, #tpu.memory_space<vmem_shared>>) offsets(%dma_start3A_77 : memref<128xi32, #tpu.memory_space<vmem>>) semaphore(%run_scoped3A : memref<!tpu.dma_semaphore, #tpu.memory_space<semaphore_mem>>) {add = true}
        %dma_wait3A_81 = arith.constant 0 : i32
        %dma_wait3A_82 = tpu.memref_slice %arg8[%mul3A_48, %dma_wait3A_81] : memref<40x128xi32, #tpu.memory_space<vmem>> -> memref<1x128xi32, #tpu.memory_space<vmem>>
        %dma_wait3A_83 = tpu.memref_squeeze %dma_wait3A_82 : memref<1x128xi32, #tpu.memory_space<vmem>> -> memref<128xi32, #tpu.memory_space<vmem>>
        %dma_wait3A_84 = arith.constant 0 : i32
        %dma_wait3A_85 = arith.constant 0 : i32
        %dma_wait3A_86 = tpu.memref_slice %arg11[%dma_wait3A_84, %dma_wait3A_85] : memref<10112x128xf32, #tpu.memory_space<vmem_shared>> -> memref<10112x128xf32, #tpu.memory_space<vmem_shared>>
        tpu.wait_indirect_dma semaphore(%run_scoped3A : memref<!tpu.dma_semaphore, #tpu.memory_space<semaphore_mem>>) src(%arg9 : memref<128x128xf32, #tpu.memory_space<vmem>>) dst(%dma_wait3A_86 : memref<10112x128xf32, #tpu.memory_space<vmem_shared>>)
        tpu.yield
      }) : () -> ()
      %add3A_54 = arith.constant 2 : i32
      %add3A_55 = arith.addi %mul3A_48, %add3A_54 : i32
      %lt3A = arith.constant 40 : i32
      %lt3A_56 = arith.cmpi slt, %add3A_55, %lt3A : i32
      %convert_element_type3A = arith.extui %lt3A_56 : i1 to i32
      %cond3A = arith.constant 0 : i32
      %cond3A_57 = arith.cmpi ne, %convert_element_type3A, %cond3A : i32
      scf.if %cond3A_57 {
        %add3A_75 = arith.constant 2 : i32
        %add3A_76 = arith.addi %mul3A_48, %add3A_75 : i32
        %dma_start3A_77 = arith.constant 0 : i32
        %dma_start3A_78 = tpu.memref_slice %arg7[%add3A_76, %dma_start3A_77] : memref<40x128xi32, #tpu.memory_space<vmem>> -> memref<1x128xi32, #tpu.memory_space<vmem>>
        %dma_start3A_79 = tpu.memref_squeeze %dma_start3A_78 : memref<1x128xi32, #tpu.memory_space<vmem>> -> memref<128xi32, #tpu.memory_space<vmem>>
        %dma_start3A_80 = arith.constant 0 : i32
        %dma_start3A_81 = arith.constant 0 : i32
        %dma_start3A_82 = tpu.memref_slice %arg2[%dma_start3A_80, %dma_start3A_81] : memref<10000x128xf32, #tpu.memory_space<hbm>> -> memref<10000x128xf32, #tpu.memory_space<hbm>>
        tpu.enqueue_indirect_dma source(%dma_start3A_82 : memref<10000x128xf32, #tpu.memory_space<hbm>>) target(%arg9 : memref<128x128xf32, #tpu.memory_space<vmem>>) offsets(%dma_start3A_79 : memref<128xi32, #tpu.memory_space<vmem>>) semaphore(%arg12 : memref<!tpu.dma_semaphore, #tpu.memory_space<semaphore_mem>>)
      } else {
      }
      %add3A_58 = arith.constant 1 : i32
      %add3A_59 = arith.addi %mul3A_48, %add3A_58 : i32
      %dma_wait3A_60 = arith.constant 0 : i32
      %dma_wait3A_61 = tpu.memref_slice %arg7[%add3A_59, %dma_wait3A_60] : memref<40x128xi32, #tpu.memory_space<vmem>> -> memref<1x128xi32, #tpu.memory_space<vmem>>
      %dma_wait3A_62 = tpu.memref_squeeze %dma_wait3A_61 : memref<1x128xi32, #tpu.memory_space<vmem>> -> memref<128xi32, #tpu.memory_space<vmem>>
      %dma_wait3A_63 = arith.constant 0 : i32
      %dma_wait3A_64 = arith.constant 0 : i32
      %dma_wait3A_65 = tpu.memref_slice %arg2[%dma_wait3A_63, %dma_wait3A_64] : memref<10000x128xf32, #tpu.memory_space<hbm>> -> memref<10000x128xf32, #tpu.memory_space<hbm>>
      tpu.wait_indirect_dma semaphore(%arg13 : memref<!tpu.dma_semaphore, #tpu.memory_space<semaphore_mem>>) src(%dma_wait3A_65 : memref<10000x128xf32, #tpu.memory_space<hbm>>) dst(%arg10 : memref<128x128xf32, #tpu.memory_space<vmem>>)
      %add3A_66 = arith.constant 1 : i32
      %add3A_67 = arith.addi %mul3A_48, %add3A_66 : i32
      "tpu.region"() ({
        %run_scoped3A = tpu.sem_alloc : memref<!tpu.dma_semaphore, #tpu.memory_space<semaphore_mem>>
        %dma_start3A_75 = arith.constant 0 : i32
        %dma_start3A_76 = tpu.memref_slice %arg8[%add3A_67, %dma_start3A_75] : memref<40x128xi32, #tpu.memory_space<vmem>> -> memref<1x128xi32, #tpu.memory_space<vmem>>
        %dma_start3A_77 = tpu.memref_squeeze %dma_start3A_76 : memref<1x128xi32, #tpu.memory_space<vmem>> -> memref<128xi32, #tpu.memory_space<vmem>>
        %dma_start3A_78 = arith.constant 0 : i32
        %dma_start3A_79 = arith.constant 0 : i32
        %dma_start3A_80 = tpu.memref_slice %arg11[%dma_start3A_78, %dma_start3A_79] : memref<10112x128xf32, #tpu.memory_space<vmem_shared>> -> memref<10112x128xf32, #tpu.memory_space<vmem_shared>>
        tpu.enqueue_indirect_dma source(%arg10 : memref<128x128xf32, #tpu.memory_space<vmem>>) target(%dma_start3A_80 : memref<10112x128xf32, #tpu.memory_space<vmem_shared>>) offsets(%dma_start3A_77 : memref<128xi32, #tpu.memory_space<vmem>>) semaphore(%run_scoped3A : memref<!tpu.dma_semaphore, #tpu.memory_space<semaphore_mem>>) {add = true}
        %dma_wait3A_81 = arith.constant 0 : i32
        %dma_wait3A_82 = tpu.memref_slice %arg8[%add3A_67, %dma_wait3A_81] : memref<40x128xi32, #tpu.memory_space<vmem>> -> memref<1x128xi32, #tpu.memory_space<vmem>>
        %dma_wait3A_83 = tpu.memref_squeeze %dma_wait3A_82 : memref<1x128xi32, #tpu.memory_space<vmem>> -> memref<128xi32, #tpu.memory_space<vmem>>
        %dma_wait3A_84 = arith.constant 0 : i32
        %dma_wait3A_85 = arith.constant 0 : i32
        %dma_wait3A_86 = tpu.memref_slice %arg11[%dma_wait3A_84, %dma_wait3A_85] : memref<10112x128xf32, #tpu.memory_space<vmem_shared>> -> memref<10112x128xf32, #tpu.memory_space<vmem_shared>>
        tpu.wait_indirect_dma semaphore(%run_scoped3A : memref<!tpu.dma_semaphore, #tpu.memory_space<semaphore_mem>>) src(%arg10 : memref<128x128xf32, #tpu.memory_space<vmem>>) dst(%dma_wait3A_86 : memref<10112x128xf32, #tpu.memory_space<vmem_shared>>)
        tpu.yield
      }) : () -> ()
      %add3A_68 = arith.constant 3 : i32
      %add3A_69 = arith.addi %mul3A_48, %add3A_68 : i32
      %lt3A_70 = arith.constant 40 : i32
      %lt3A_71 = arith.cmpi slt, %add3A_69, %lt3A_70 : i32
      %convert_element_type3A_72 = arith.extui %lt3A_71 : i1 to i32
      %cond3A_73 = arith.constant 0 : i32
      %cond3A_74 = arith.cmpi ne, %convert_element_type3A_72, %cond3A_73 : i32
      scf.if %cond3A_74 {
        %add3A_75 = arith.constant 3 : i32
        %add3A_76 = arith.addi %mul3A_48, %add3A_75 : i32
        %dma_start3A_77 = arith.constant 0 : i32
        %dma_start3A_78 = tpu.memref_slice %arg7[%add3A_76, %dma_start3A_77] : memref<40x128xi32, #tpu.memory_space<vmem>> -> memref<1x128xi32, #tpu.memory_space<vmem>>
        %dma_start3A_79 = tpu.memref_squeeze %dma_start3A_78 : memref<1x128xi32, #tpu.memory_space<vmem>> -> memref<128xi32, #tpu.memory_space<vmem>>
        %dma_start3A_80 = arith.constant 0 : i32
        %dma_start3A_81 = arith.constant 0 : i32
        %dma_start3A_82 = tpu.memref_slice %arg2[%dma_start3A_80, %dma_start3A_81] : memref<10000x128xf32, #tpu.memory_space<hbm>> -> memref<10000x128xf32, #tpu.memory_space<hbm>>
        tpu.enqueue_indirect_dma source(%dma_start3A_82 : memref<10000x128xf32, #tpu.memory_space<hbm>>) target(%arg10 : memref<128x128xf32, #tpu.memory_space<vmem>>) offsets(%dma_start3A_79 : memref<128xi32, #tpu.memory_space<vmem>>) semaphore(%arg13 : memref<!tpu.dma_semaphore, #tpu.memory_space<semaphore_mem>>)
      } else {
      }
    }
    %scan3A_20 = arith.constant 20 : i32
    "tpu.region"() ({
      %run_scoped3A = tpu.sem_alloc : memref<!tpu.dma_semaphore, #tpu.memory_space<semaphore_mem>>
      %dma_start3A_46 = arith.constant 40 : i32
      %dma_start3A_47 = arith.constant 0 : i32
      %dma_start3A_48 = tpu.memref_slice %arg3[%add3A, %dma_start3A_46, %dma_start3A_47] : memref<32x80x128xi32, #tpu.memory_space<hbm>> -> memref<1x40x128xi32, #tpu.memory_space<hbm>>
      %dma_start3A_49 = tpu.memref_squeeze %dma_start3A_48 : memref<1x40x128xi32, #tpu.memory_space<hbm>> -> memref<40x128xi32, #tpu.memory_space<hbm>>
      %dma_start3A_50 = arith.constant 40 : i32
      %dma_start3A_51 = arith.constant 0 : i32
      %dma_start3A_52 = tpu.memref_slice %arg3[%add3A, %dma_start3A_50, %dma_start3A_51] : memref<32x80x128xi32, #tpu.memory_space<hbm>> -> memref<1x40x128xi32, #tpu.memory_space<hbm>>
      %dma_start3A_53 = tpu.memref_squeeze %dma_start3A_52 : memref<1x40x128xi32, #tpu.memory_space<hbm>> -> memref<40x128xi32, #tpu.memory_space<hbm>>
      tpu.enqueue_dma source(%dma_start3A_53 : memref<40x128xi32, #tpu.memory_space<hbm>>) target(%arg7 : memref<40x128xi32, #tpu.memory_space<vmem>>) target_semaphore(%run_scoped3A : memref<!tpu.dma_semaphore, #tpu.memory_space<semaphore_mem>>)
      %dma_wait3A = arith.constant 40 : i32
      %dma_wait3A_54 = arith.constant 0 : i32
      %dma_wait3A_55 = tpu.memref_slice %arg3[%add3A, %dma_wait3A, %dma_wait3A_54] : memref<32x80x128xi32, #tpu.memory_space<hbm>> -> memref<1x40x128xi32, #tpu.memory_space<hbm>>
      %dma_wait3A_56 = tpu.memref_squeeze %dma_wait3A_55 : memref<1x40x128xi32, #tpu.memory_space<hbm>> -> memref<40x128xi32, #tpu.memory_space<hbm>>
      %dma_wait3A_57 = arith.constant 40 : i32
      %dma_wait3A_58 = arith.constant 0 : i32
      %dma_wait3A_59 = tpu.memref_slice %arg3[%add3A, %dma_wait3A_57, %dma_wait3A_58] : memref<32x80x128xi32, #tpu.memory_space<hbm>> -> memref<1x40x128xi32, #tpu.memory_space<hbm>>
      %dma_wait3A_60 = tpu.memref_squeeze %dma_wait3A_59 : memref<1x40x128xi32, #tpu.memory_space<hbm>> -> memref<40x128xi32, #tpu.memory_space<hbm>>
      tpu.wait_dma2 semaphore(%run_scoped3A : memref<!tpu.dma_semaphore, #tpu.memory_space<semaphore_mem>>) src(%dma_wait3A_60 : memref<40x128xi32, #tpu.memory_space<hbm>>) dst(%arg7 : memref<40x128xi32, #tpu.memory_space<vmem>>)
      tpu.yield
    }) : () -> ()
    "tpu.region"() ({
      %run_scoped3A = tpu.sem_alloc : memref<!tpu.dma_semaphore, #tpu.memory_space<semaphore_mem>>
      %dma_start3A_46 = arith.constant 40 : i32
      %dma_start3A_47 = arith.constant 0 : i32
      %dma_start3A_48 = tpu.memref_slice %arg4[%add3A, %dma_start3A_46, %dma_start3A_47] : memref<32x80x128xi32, #tpu.memory_space<hbm>> -> memref<1x40x128xi32, #tpu.memory_space<hbm>>
      %dma_start3A_49 = tpu.memref_squeeze %dma_start3A_48 : memref<1x40x128xi32, #tpu.memory_space<hbm>> -> memref<40x128xi32, #tpu.memory_space<hbm>>
      %dma_start3A_50 = arith.constant 40 : i32
      %dma_start3A_51 = arith.constant 0 : i32
      %dma_start3A_52 = tpu.memref_slice %arg4[%add3A, %dma_start3A_50, %dma_start3A_51] : memref<32x80x128xi32, #tpu.memory_space<hbm>> -> memref<1x40x128xi32, #tpu.memory_space<hbm>>
      %dma_start3A_53 = tpu.memref_squeeze %dma_start3A_52 : memref<1x40x128xi32, #tpu.memory_space<hbm>> -> memref<40x128xi32, #tpu.memory_space<hbm>>
      tpu.enqueue_dma source(%dma_start3A_53 : memref<40x128xi32, #tpu.memory_space<hbm>>) target(%arg8 : memref<40x128xi32, #tpu.memory_space<vmem>>) target_semaphore(%run_scoped3A : memref<!tpu.dma_semaphore, #tpu.memory_space<semaphore_mem>>)
      %dma_wait3A = arith.constant 40 : i32
      %dma_wait3A_54 = arith.constant 0 : i32
      %dma_wait3A_55 = tpu.memref_slice %arg4[%add3A, %dma_wait3A, %dma_wait3A_54] : memref<32x80x128xi32, #tpu.memory_space<hbm>> -> memref<1x40x128xi32, #tpu.memory_space<hbm>>
      %dma_wait3A_56 = tpu.memref_squeeze %dma_wait3A_55 : memref<1x40x128xi32, #tpu.memory_space<hbm>> -> memref<40x128xi32, #tpu.memory_space<hbm>>
      %dma_wait3A_57 = arith.constant 40 : i32
      %dma_wait3A_58 = arith.constant 0 : i32
      %dma_wait3A_59 = tpu.memref_slice %arg4[%add3A, %dma_wait3A_57, %dma_wait3A_58] : memref<32x80x128xi32, #tpu.memory_space<hbm>> -> memref<1x40x128xi32, #tpu.memory_space<hbm>>
      %dma_wait3A_60 = tpu.memref_squeeze %dma_wait3A_59 : memref<1x40x128xi32, #tpu.memory_space<hbm>> -> memref<40x128xi32, #tpu.memory_space<hbm>>
      tpu.wait_dma2 semaphore(%run_scoped3A : memref<!tpu.dma_semaphore, #tpu.memory_space<semaphore_mem>>) src(%dma_wait3A_60 : memref<40x128xi32, #tpu.memory_space<hbm>>) dst(%arg8 : memref<40x128xi32, #tpu.memory_space<vmem>>)
      tpu.yield
    }) : () -> ()
    %dma_start3A_21 = arith.constant 0 : i32
    %dma_start3A_22 = arith.constant 0 : i32
    %dma_start3A_23 = tpu.memref_slice %arg7[%dma_start3A_21, %dma_start3A_22] : memref<40x128xi32, #tpu.memory_space<vmem>> -> memref<1x128xi32, #tpu.memory_space<vmem>>
    %dma_start3A_24 = tpu.memref_squeeze %dma_start3A_23 : memref<1x128xi32, #tpu.memory_space<vmem>> -> memref<128xi32, #tpu.memory_space<vmem>>
    %dma_start3A_25 = arith.constant 0 : i32
    %dma_start3A_26 = arith.constant 0 : i32
    %dma_start3A_27 = tpu.memref_slice %arg2[%dma_start3A_25, %dma_start3A_26] : memref<10000x128xf32, #tpu.memory_space<hbm>> -> memref<10000x128xf32, #tpu.memory_space<hbm>>
    tpu.enqueue_indirect_dma source(%dma_start3A_27 : memref<10000x128xf32, #tpu.memory_space<hbm>>) target(%arg9 : memref<128x128xf32, #tpu.memory_space<vmem>>) offsets(%dma_start3A_24 : memref<128xi32, #tpu.memory_space<vmem>>) semaphore(%arg12 : memref<!tpu.dma_semaphore, #tpu.memory_space<semaphore_mem>>)
    %dma_start3A_28 = arith.constant 1 : i32
    %dma_start3A_29 = arith.constant 0 : i32
    %dma_start3A_30 = tpu.memref_slice %arg7[%dma_start3A_28, %dma_start3A_29] : memref<40x128xi32, #tpu.memory_space<vmem>> -> memref<1x128xi32, #tpu.memory_space<vmem>>
    %dma_start3A_31 = tpu.memref_squeeze %dma_start3A_30 : memref<1x128xi32, #tpu.memory_space<vmem>> -> memref<128xi32, #tpu.memory_space<vmem>>
    %dma_start3A_32 = arith.constant 0 : i32
    %dma_start3A_33 = arith.constant 0 : i32
    %dma_start3A_34 = tpu.memref_slice %arg2[%dma_start3A_32, %dma_start3A_33] : memref<10000x128xf32, #tpu.memory_space<hbm>> -> memref<10000x128xf32, #tpu.memory_space<hbm>>
    tpu.enqueue_indirect_dma source(%dma_start3A_34 : memref<10000x128xf32, #tpu.memory_space<hbm>>) target(%arg10 : memref<128x128xf32, #tpu.memory_space<vmem>>) offsets(%dma_start3A_31 : memref<128xi32, #tpu.memory_space<vmem>>) semaphore(%arg13 : memref<!tpu.dma_semaphore, #tpu.memory_space<semaphore_mem>>)
    %scan3A_35 = arith.constant 0 : i32
    %scan3A_36 = arith.constant 0 : i32
    %scan3A_37 = arith.constant 20 : i32
    %scan3A_38 = arith.addi %scan3A_36, %scan3A_37 : i32
    %scan3A_39 = arith.constant 1 : i32
    scf.for %scan3A_46 = %scan3A_36 to %scan3A_38 step %scan3A_39  : i32 {
      %mul3A_47 = arith.constant 2 : i32
      %mul3A_48 = arith.muli %mul3A_47, %scan3A_46 : i32
      %dma_wait3A = arith.constant 0 : i32
      %dma_wait3A_49 = tpu.memref_slice %arg7[%mul3A_48, %dma_wait3A] : memref<40x128xi32, #tpu.memory_space<vmem>> -> memref<1x128xi32, #tpu.memory_space<vmem>>
      %dma_wait3A_50 = tpu.memref_squeeze %dma_wait3A_49 : memref<1x128xi32, #tpu.memory_space<vmem>> -> memref<128xi32, #tpu.memory_space<vmem>>
      %dma_wait3A_51 = arith.constant 0 : i32
      %dma_wait3A_52 = arith.constant 0 : i32
      %dma_wait3A_53 = tpu.memref_slice %arg2[%dma_wait3A_51, %dma_wait3A_52] : memref<10000x128xf32, #tpu.memory_space<hbm>> -> memref<10000x128xf32, #tpu.memory_space<hbm>>
      tpu.wait_indirect_dma semaphore(%arg12 : memref<!tpu.dma_semaphore, #tpu.memory_space<semaphore_mem>>) src(%dma_wait3A_53 : memref<10000x128xf32, #tpu.memory_space<hbm>>) dst(%arg9 : memref<128x128xf32, #tpu.memory_space<vmem>>)
      "tpu.region"() ({
        %run_scoped3A = tpu.sem_alloc : memref<!tpu.dma_semaphore, #tpu.memory_space<semaphore_mem>>
        %dma_start3A_75 = arith.constant 0 : i32
        %dma_start3A_76 = tpu.memref_slice %arg8[%mul3A_48, %dma_start3A_75] : memref<40x128xi32, #tpu.memory_space<vmem>> -> memref<1x128xi32, #tpu.memory_space<vmem>>
        %dma_start3A_77 = tpu.memref_squeeze %dma_start3A_76 : memref<1x128xi32, #tpu.memory_space<vmem>> -> memref<128xi32, #tpu.memory_space<vmem>>
        %dma_start3A_78 = arith.constant 0 : i32
        %dma_start3A_79 = arith.constant 0 : i32
        %dma_start3A_80 = tpu.memref_slice %arg11[%dma_start3A_78, %dma_start3A_79] : memref<10112x128xf32, #tpu.memory_space<vmem_shared>> -> memref<10112x128xf32, #tpu.memory_space<vmem_shared>>
        tpu.enqueue_indirect_dma source(%arg9 : memref<128x128xf32, #tpu.memory_space<vmem>>) target(%dma_start3A_80 : memref<10112x128xf32, #tpu.memory_space<vmem_shared>>) offsets(%dma_start3A_77 : memref<128xi32, #tpu.memory_space<vmem>>) semaphore(%run_scoped3A : memref<!tpu.dma_semaphore, #tpu.memory_space<semaphore_mem>>) {add = true}
        %dma_wait3A_81 = arith.constant 0 : i32
        %dma_wait3A_82 = tpu.memref_slice %arg8[%mul3A_48, %dma_wait3A_81] : memref<40x128xi32, #tpu.memory_space<vmem>> -> memref<1x128xi32, #tpu.memory_space<vmem>>
        %dma_wait3A_83 = tpu.memref_squeeze %dma_wait3A_82 : memref<1x128xi32, #tpu.memory_space<vmem>> -> memref<128xi32, #tpu.memory_space<vmem>>
        %dma_wait3A_84 = arith.constant 0 : i32
        %dma_wait3A_85 = arith.constant 0 : i32
        %dma_wait3A_86 = tpu.memref_slice %arg11[%dma_wait3A_84, %dma_wait3A_85] : memref<10112x128xf32, #tpu.memory_space<vmem_shared>> -> memref<10112x128xf32, #tpu.memory_space<vmem_shared>>
        tpu.wait_indirect_dma semaphore(%run_scoped3A : memref<!tpu.dma_semaphore, #tpu.memory_space<semaphore_mem>>) src(%arg9 : memref<128x128xf32, #tpu.memory_space<vmem>>) dst(%dma_wait3A_86 : memref<10112x128xf32, #tpu.memory_space<vmem_shared>>)
        tpu.yield
      }) : () -> ()
      %add3A_54 = arith.constant 2 : i32
      %add3A_55 = arith.addi %mul3A_48, %add3A_54 : i32
      %lt3A = arith.constant 40 : i32
      %lt3A_56 = arith.cmpi slt, %add3A_55, %lt3A : i32
      %convert_element_type3A = arith.extui %lt3A_56 : i1 to i32
      %cond3A = arith.constant 0 : i32
      %cond3A_57 = arith.cmpi ne, %convert_element_type3A, %cond3A : i32
      scf.if %cond3A_57 {
        %add3A_75 = arith.constant 2 : i32
        %add3A_76 = arith.addi %mul3A_48, %add3A_75 : i32
        %dma_start3A_77 = arith.constant 0 : i32
        %dma_start3A_78 = tpu.memref_slice %arg7[%add3A_76, %dma_start3A_77] : memref<40x128xi32, #tpu.memory_space<vmem>> -> memref<1x128xi32, #tpu.memory_space<vmem>>
        %dma_start3A_79 = tpu.memref_squeeze %dma_start3A_78 : memref<1x128xi32, #tpu.memory_space<vmem>> -> memref<128xi32, #tpu.memory_space<vmem>>
        %dma_start3A_80 = arith.constant 0 : i32
        %dma_start3A_81 = arith.constant 0 : i32
        %dma_start3A_82 = tpu.memref_slice %arg2[%dma_start3A_80, %dma_start3A_81] : memref<10000x128xf32, #tpu.memory_space<hbm>> -> memref<10000x128xf32, #tpu.memory_space<hbm>>
        tpu.enqueue_indirect_dma source(%dma_start3A_82 : memref<10000x128xf32, #tpu.memory_space<hbm>>) target(%arg9 : memref<128x128xf32, #tpu.memory_space<vmem>>) offsets(%dma_start3A_79 : memref<128xi32, #tpu.memory_space<vmem>>) semaphore(%arg12 : memref<!tpu.dma_semaphore, #tpu.memory_space<semaphore_mem>>)
      } else {
      }
      %add3A_58 = arith.constant 1 : i32
      %add3A_59 = arith.addi %mul3A_48, %add3A_58 : i32
      %dma_wait3A_60 = arith.constant 0 : i32
      %dma_wait3A_61 = tpu.memref_slice %arg7[%add3A_59, %dma_wait3A_60] : memref<40x128xi32, #tpu.memory_space<vmem>> -> memref<1x128xi32, #tpu.memory_space<vmem>>
      %dma_wait3A_62 = tpu.memref_squeeze %dma_wait3A_61 : memref<1x128xi32, #tpu.memory_space<vmem>> -> memref<128xi32, #tpu.memory_space<vmem>>
      %dma_wait3A_63 = arith.constant 0 : i32
      %dma_wait3A_64 = arith.constant 0 : i32
      %dma_wait3A_65 = tpu.memref_slice %arg2[%dma_wait3A_63, %dma_wait3A_64] : memref<10000x128xf32, #tpu.memory_space<hbm>> -> memref<10000x128xf32, #tpu.memory_space<hbm>>
      tpu.wait_indirect_dma semaphore(%arg13 : memref<!tpu.dma_semaphore, #tpu.memory_space<semaphore_mem>>) src(%dma_wait3A_65 : memref<10000x128xf32, #tpu.memory_space<hbm>>) dst(%arg10 : memref<128x128xf32, #tpu.memory_space<vmem>>)
      %add3A_66 = arith.constant 1 : i32
      %add3A_67 = arith.addi %mul3A_48, %add3A_66 : i32
      "tpu.region"() ({
        %run_scoped3A = tpu.sem_alloc : memref<!tpu.dma_semaphore, #tpu.memory_space<semaphore_mem>>
        %dma_start3A_75 = arith.constant 0 : i32
        %dma_start3A_76 = tpu.memref_slice %arg8[%add3A_67, %dma_start3A_75] : memref<40x128xi32, #tpu.memory_space<vmem>> -> memref<1x128xi32, #tpu.memory_space<vmem>>
        %dma_start3A_77 = tpu.memref_squeeze %dma_start3A_76 : memref<1x128xi32, #tpu.memory_space<vmem>> -> memref<128xi32, #tpu.memory_space<vmem>>
        %dma_start3A_78 = arith.constant 0 : i32
        %dma_start3A_79 = arith.constant 0 : i32
        %dma_start3A_80 = tpu.memref_slice %arg11[%dma_start3A_78, %dma_start3A_79] : memref<10112x128xf32, #tpu.memory_space<vmem_shared>> -> memref<10112x128xf32, #tpu.memory_space<vmem_shared>>
        tpu.enqueue_indirect_dma source(%arg10 : memref<128x128xf32, #tpu.memory_space<vmem>>) target(%dma_start3A_80 : memref<10112x128xf32, #tpu.memory_space<vmem_shared>>) offsets(%dma_start3A_77 : memref<128xi32, #tpu.memory_space<vmem>>) semaphore(%run_scoped3A : memref<!tpu.dma_semaphore, #tpu.memory_space<semaphore_mem>>) {add = true}
        %dma_wait3A_81 = arith.constant 0 : i32
        %dma_wait3A_82 = tpu.memref_slice %arg8[%add3A_67, %dma_wait3A_81] : memref<40x128xi32, #tpu.memory_space<vmem>> -> memref<1x128xi32, #tpu.memory_space<vmem>>
        %dma_wait3A_83 = tpu.memref_squeeze %dma_wait3A_82 : memref<1x128xi32, #tpu.memory_space<vmem>> -> memref<128xi32, #tpu.memory_space<vmem>>
        %dma_wait3A_84 = arith.constant 0 : i32
        %dma_wait3A_85 = arith.constant 0 : i32
        %dma_wait3A_86 = tpu.memref_slice %arg11[%dma_wait3A_84, %dma_wait3A_85] : memref<10112x128xf32, #tpu.memory_space<vmem_shared>> -> memref<10112x128xf32, #tpu.memory_space<vmem_shared>>
        tpu.wait_indirect_dma semaphore(%run_scoped3A : memref<!tpu.dma_semaphore, #tpu.memory_space<semaphore_mem>>) src(%arg10 : memref<128x128xf32, #tpu.memory_space<vmem>>) dst(%dma_wait3A_86 : memref<10112x128xf32, #tpu.memory_space<vmem_shared>>)
        tpu.yield
      }) : () -> ()
      %add3A_68 = arith.constant 3 : i32
      %add3A_69 = arith.addi %mul3A_48, %add3A_68 : i32
      %lt3A_70 = arith.constant 40 : i32
      %lt3A_71 = arith.cmpi slt, %add3A_69, %lt3A_70 : i32
      %convert_element_type3A_72 = arith.extui %lt3A_71 : i1 to i32
      %cond3A_73 = arith.constant 0 : i32
      %cond3A_74 = arith.cmpi ne, %convert_element_type3A_72, %cond3A_73 : i32
      scf.if %cond3A_74 {
        %add3A_75 = arith.constant 3 : i32
        %add3A_76 = arith.addi %mul3A_48, %add3A_75 : i32
        %dma_start3A_77 = arith.constant 0 : i32
        %dma_start3A_78 = tpu.memref_slice %arg7[%add3A_76, %dma_start3A_77] : memref<40x128xi32, #tpu.memory_space<vmem>> -> memref<1x128xi32, #tpu.memory_space<vmem>>
        %dma_start3A_79 = tpu.memref_squeeze %dma_start3A_78 : memref<1x128xi32, #tpu.memory_space<vmem>> -> memref<128xi32, #tpu.memory_space<vmem>>
        %dma_start3A_80 = arith.constant 0 : i32
        %dma_start3A_81 = arith.constant 0 : i32
        %dma_start3A_82 = tpu.memref_slice %arg2[%dma_start3A_80, %dma_start3A_81] : memref<10000x128xf32, #tpu.memory_space<hbm>> -> memref<10000x128xf32, #tpu.memory_space<hbm>>
        tpu.enqueue_indirect_dma source(%dma_start3A_82 : memref<10000x128xf32, #tpu.memory_space<hbm>>) target(%arg10 : memref<128x128xf32, #tpu.memory_space<vmem>>) offsets(%dma_start3A_79 : memref<128xi32, #tpu.memory_space<vmem>>) semaphore(%arg13 : memref<!tpu.dma_semaphore, #tpu.memory_space<semaphore_mem>>)
      } else {
      }
    }
    %scan3A_40 = arith.constant 20 : i32
    %barrier3A_41 = arith.constant 0 : index
    tpu.barrier barrier_id(%barrier3A_41)
    %mul3A_42 = arith.constant 632 : i32
    %mul3A_43 = arith.muli %arg1, %mul3A_42 : i32
    %mul3A_44 = arith.constant 632 : i32
    %mul3A_45 = arith.muli %arg1, %mul3A_44 : i32
    "tpu.region"() ({
      %run_scoped3A = tpu.sem_alloc : memref<!tpu.dma_semaphore, #tpu.memory_space<semaphore_mem>>
      %dma_start3A_46 = arith.constant 0 : i32
      %dma_start3A_47 = tpu.memref_slice %arg6[%arg0, %mul3A_45, %dma_start3A_46] : memref<2x10112x128xf32, #tpu.memory_space<hbm>> -> memref<1x632x128xf32, #tpu.memory_space<hbm>>
      %dma_start3A_48 = tpu.memref_squeeze %dma_start3A_47 : memref<1x632x128xf32, #tpu.memory_space<hbm>> -> memref<632x128xf32, #tpu.memory_space<hbm>>
      %dma_start3A_49 = arith.constant 0 : i32
      %dma_start3A_50 = tpu.memref_slice %arg11[%mul3A_43, %dma_start3A_49] : memref<10112x128xf32, #tpu.memory_space<vmem_shared>> -> memref<632x128xf32, #tpu.memory_space<vmem_shared>>
      tpu.enqueue_dma source(%dma_start3A_50 : memref<632x128xf32, #tpu.memory_space<vmem_shared>>) target(%dma_start3A_48 : memref<632x128xf32, #tpu.memory_space<hbm>>) target_semaphore(%run_scoped3A : memref<!tpu.dma_semaphore, #tpu.memory_space<semaphore_mem>>)
      %dma_wait3A = arith.constant 0 : i32
      %dma_wait3A_51 = tpu.memref_slice %arg6[%arg0, %mul3A_45, %dma_wait3A] : memref<2x10112x128xf32, #tpu.memory_space<hbm>> -> memref<1x632x128xf32, #tpu.memory_space<hbm>>
      %dma_wait3A_52 = tpu.memref_squeeze %dma_wait3A_51 : memref<1x632x128xf32, #tpu.memory_space<hbm>> -> memref<632x128xf32, #tpu.memory_space<hbm>>
      %dma_wait3A_53 = arith.constant 0 : i32
      %dma_wait3A_54 = tpu.memref_slice %arg11[%mul3A_43, %dma_wait3A_53] : memref<10112x128xf32, #tpu.memory_space<vmem_shared>> -> memref<632x128xf32, #tpu.memory_space<vmem_shared>>
      tpu.wait_dma2 semaphore(%run_scoped3A : memref<!tpu.dma_semaphore, #tpu.memory_space<semaphore_mem>>) src(%dma_wait3A_54 : memref<632x128xf32, #tpu.memory_space<vmem_shared>>) dst(%dma_wait3A_52 : memref<632x128xf32, #tpu.memory_space<hbm>>)
      tpu.yield
    }) : () -> ()
    return
  }
}

#map = affine_map<(d0, d1) -> (0, 0)>
#map1 = affine_map<(d0, d1) -> (0, 0, 0)>
module attributes {stable_mosaic.version = 14 : i64} {
  func.func @sc_agg(%arg0: i32, %arg1: i32, %arg2: memref<10000x128xf32, #tpu.memory_space<hbm>>, %arg3: memref<32x80x128xi32, #tpu.memory_space<hbm>>, %arg4: memref<32x80x128xi32, #tpu.memory_space<hbm>>, %arg5: memref<632x128xf32, #tpu.memory_space<hbm>>, %arg6: memref<2x10112x128xf32, #tpu.memory_space<hbm>>, %arg7: memref<40x128xi32, #tpu.memory_space<vmem>>, %arg8: memref<40x128xi32, #tpu.memory_space<vmem>>, %arg9: memref<128x128xf32, #tpu.memory_space<vmem>>, %arg10: memref<128x128xf32, #tpu.memory_space<vmem>>, %arg11: memref<10112x128xf32, #tpu.memory_space<vmem_shared>>, %arg12: memref<!tpu.dma_semaphore, #tpu.memory_space<semaphore_mem>>, %arg13: memref<!tpu.dma_semaphore, #tpu.memory_space<semaphore_mem>>) attributes {dimension_semantics = [#tpu.dimension_semantics<core_parallel>, #tpu.dimension_semantics<subcore_parallel>], iteration_bounds = array<i64: 2, 16>, scalar_prefetch = 0 : i64, scratch_operands = 7 : i64, tpu.core_type = #tpu.core_type<sc_vector_subcore>, window_params = [{transform_indices = #map}, {transform_indices = #map1}, {transform_indices = #map1}, {transform_indices = #map}, {transform_indices = #map1}]} {
    %mul3A = arith.constant 16 : i32
    %mul3A_0 = arith.muli %arg0, %mul3A : i32
    %add3A = arith.addi %mul3A_0, %arg1 : i32
    %mul3A_1 = arith.constant 632 : i32
    %mul3A_2 = arith.muli %arg1, %mul3A_1 : i32
    "tpu.region"() ({
      %run_scoped3A = tpu.sem_alloc : memref<!tpu.dma_semaphore, #tpu.memory_space<semaphore_mem>>
      %dma_start3A_46 = arith.constant 0 : i32
      %dma_start3A_47 = tpu.memref_slice %arg11[%mul3A_2, %dma_start3A_46] : memref<10112x128xf32, #tpu.memory_space<vmem_shared>> -> memref<632x128xf32, #tpu.memory_space<vmem_shared>>
      tpu.enqueue_dma source(%arg5 : memref<632x128xf32, #tpu.memory_space<hbm>>) target(%dma_start3A_47 : memref<632x128xf32, #tpu.memory_space<vmem_shared>>) target_semaphore(%run_scoped3A : memref<!tpu.dma_semaphore, #tpu.memory_space<semaphore_mem>>)
      %dma_wait3A = arith.constant 0 : i32
      %dma_wait3A_48 = tpu.memref_slice %arg11[%mul3A_2, %dma_wait3A] : memref<10112x128xf32, #tpu.memory_space<vmem_shared>> -> memref<632x128xf32, #tpu.memory_space<vmem_shared>>
      tpu.wait_dma2 semaphore(%run_scoped3A : memref<!tpu.dma_semaphore, #tpu.memory_space<semaphore_mem>>) src(%arg5 : memref<632x128xf32, #tpu.memory_space<hbm>>) dst(%dma_wait3A_48 : memref<632x128xf32, #tpu.memory_space<vmem_shared>>)
      tpu.yield
    }) : () -> ()
    %barrier3A = arith.constant 0 : index
    tpu.barrier barrier_id(%barrier3A)
    "tpu.region"() ({
      %run_scoped3A = tpu.sem_alloc : memref<!tpu.dma_semaphore, #tpu.memory_space<semaphore_mem>>
      %dma_start3A_46 = arith.constant 0 : i32
      %dma_start3A_47 = arith.constant 0 : i32
      %dma_start3A_48 = tpu.memref_slice %arg3[%add3A, %dma_start3A_46, %dma_start3A_47] : memref<32x80x128xi32, #tpu.memory_space<hbm>> -> memref<1x40x128xi32, #tpu.memory_space<hbm>>
      %dma_start3A_49 = tpu.memref_squeeze %dma_start3A_48 : memref<1x40x128xi32, #tpu.memory_space<hbm>> -> memref<40x128xi32, #tpu.memory_space<hbm>>
      %dma_start3A_50 = arith.constant 0 : i32
      %dma_start3A_51 = arith.constant 0 : i32
      %dma_start3A_52 = tpu.memref_slice %arg3[%add3A, %dma_start3A_50, %dma_start3A_51] : memref<32x80x128xi32, #tpu.memory_space<hbm>> -> memref<1x40x128xi32, #tpu.memory_space<hbm>>
      %dma_start3A_53 = tpu.memref_squeeze %dma_start3A_52 : memref<1x40x128xi32, #tpu.memory_space<hbm>> -> memref<40x128xi32, #tpu.memory_space<hbm>>
      tpu.enqueue_dma source(%dma_start3A_53 : memref<40x128xi32, #tpu.memory_space<hbm>>) target(%arg7 : memref<40x128xi32, #tpu.memory_space<vmem>>) target_semaphore(%run_scoped3A : memref<!tpu.dma_semaphore, #tpu.memory_space<semaphore_mem>>)
      %dma_wait3A = arith.constant 0 : i32
      %dma_wait3A_54 = arith.constant 0 : i32
      %dma_wait3A_55 = tpu.memref_slice %arg3[%add3A, %dma_wait3A, %dma_wait3A_54] : memref<32x80x128xi32, #tpu.memory_space<hbm>> -> memref<1x40x128xi32, #tpu.memory_space<hbm>>
      %dma_wait3A_56 = tpu.memref_squeeze %dma_wait3A_55 : memref<1x40x128xi32, #tpu.memory_space<hbm>> -> memref<40x128xi32, #tpu.memory_space<hbm>>
      %dma_wait3A_57 = arith.constant 0 : i32
      %dma_wait3A_58 = arith.constant 0 : i32
      %dma_wait3A_59 = tpu.memref_slice %arg3[%add3A, %dma_wait3A_57, %dma_wait3A_58] : memref<32x80x128xi32, #tpu.memory_space<hbm>> -> memref<1x40x128xi32, #tpu.memory_space<hbm>>
      %dma_wait3A_60 = tpu.memref_squeeze %dma_wait3A_59 : memref<1x40x128xi32, #tpu.memory_space<hbm>> -> memref<40x128xi32, #tpu.memory_space<hbm>>
      tpu.wait_dma2 semaphore(%run_scoped3A : memref<!tpu.dma_semaphore, #tpu.memory_space<semaphore_mem>>) src(%dma_wait3A_60 : memref<40x128xi32, #tpu.memory_space<hbm>>) dst(%arg7 : memref<40x128xi32, #tpu.memory_space<vmem>>)
      tpu.yield
    }) : () -> ()
    "tpu.region"() ({
      %run_scoped3A = tpu.sem_alloc : memref<!tpu.dma_semaphore, #tpu.memory_space<semaphore_mem>>
      %dma_start3A_46 = arith.constant 0 : i32
      %dma_start3A_47 = arith.constant 0 : i32
      %dma_start3A_48 = tpu.memref_slice %arg4[%add3A, %dma_start3A_46, %dma_start3A_47] : memref<32x80x128xi32, #tpu.memory_space<hbm>> -> memref<1x40x128xi32, #tpu.memory_space<hbm>>
      %dma_start3A_49 = tpu.memref_squeeze %dma_start3A_48 : memref<1x40x128xi32, #tpu.memory_space<hbm>> -> memref<40x128xi32, #tpu.memory_space<hbm>>
      %dma_start3A_50 = arith.constant 0 : i32
      %dma_start3A_51 = arith.constant 0 : i32
      %dma_start3A_52 = tpu.memref_slice %arg4[%add3A, %dma_start3A_50, %dma_start3A_51] : memref<32x80x128xi32, #tpu.memory_space<hbm>> -> memref<1x40x128xi32, #tpu.memory_space<hbm>>
      %dma_start3A_53 = tpu.memref_squeeze %dma_start3A_52 : memref<1x40x128xi32, #tpu.memory_space<hbm>> -> memref<40x128xi32, #tpu.memory_space<hbm>>
      tpu.enqueue_dma source(%dma_start3A_53 : memref<40x128xi32, #tpu.memory_space<hbm>>) target(%arg8 : memref<40x128xi32, #tpu.memory_space<vmem>>) target_semaphore(%run_scoped3A : memref<!tpu.dma_semaphore, #tpu.memory_space<semaphore_mem>>)
      %dma_wait3A = arith.constant 0 : i32
      %dma_wait3A_54 = arith.constant 0 : i32
      %dma_wait3A_55 = tpu.memref_slice %arg4[%add3A, %dma_wait3A, %dma_wait3A_54] : memref<32x80x128xi32, #tpu.memory_space<hbm>> -> memref<1x40x128xi32, #tpu.memory_space<hbm>>
      %dma_wait3A_56 = tpu.memref_squeeze %dma_wait3A_55 : memref<1x40x128xi32, #tpu.memory_space<hbm>> -> memref<40x128xi32, #tpu.memory_space<hbm>>
      %dma_wait3A_57 = arith.constant 0 : i32
      %dma_wait3A_58 = arith.constant 0 : i32
      %dma_wait3A_59 = tpu.memref_slice %arg4[%add3A, %dma_wait3A_57, %dma_wait3A_58] : memref<32x80x128xi32, #tpu.memory_space<hbm>> -> memref<1x40x128xi32, #tpu.memory_space<hbm>>
      %dma_wait3A_60 = tpu.memref_squeeze %dma_wait3A_59 : memref<1x40x128xi32, #tpu.memory_space<hbm>> -> memref<40x128xi32, #tpu.memory_space<hbm>>
      tpu.wait_dma2 semaphore(%run_scoped3A : memref<!tpu.dma_semaphore, #tpu.memory_space<semaphore_mem>>) src(%dma_wait3A_60 : memref<40x128xi32, #tpu.memory_space<hbm>>) dst(%arg8 : memref<40x128xi32, #tpu.memory_space<vmem>>)
      tpu.yield
    }) : () -> ()
    %dma_start3A = arith.constant 0 : i32
    %dma_start3A_3 = arith.constant 0 : i32
    %dma_start3A_4 = tpu.memref_slice %arg7[%dma_start3A, %dma_start3A_3] : memref<40x128xi32, #tpu.memory_space<vmem>> -> memref<1x128xi32, #tpu.memory_space<vmem>>
    %dma_start3A_5 = tpu.memref_squeeze %dma_start3A_4 : memref<1x128xi32, #tpu.memory_space<vmem>> -> memref<128xi32, #tpu.memory_space<vmem>>
    %dma_start3A_6 = arith.constant 0 : i32
    %dma_start3A_7 = arith.constant 0 : i32
    %dma_start3A_8 = tpu.memref_slice %arg2[%dma_start3A_6, %dma_start3A_7] : memref<10000x128xf32, #tpu.memory_space<hbm>> -> memref<10000x128xf32, #tpu.memory_space<hbm>>
    tpu.enqueue_indirect_dma source(%dma_start3A_8 : memref<10000x128xf32, #tpu.memory_space<hbm>>) target(%arg9 : memref<128x128xf32, #tpu.memory_space<vmem>>) offsets(%dma_start3A_5 : memref<128xi32, #tpu.memory_space<vmem>>) semaphore(%arg12 : memref<!tpu.dma_semaphore, #tpu.memory_space<semaphore_mem>>)
    %dma_start3A_9 = arith.constant 1 : i32
    %dma_start3A_10 = arith.constant 0 : i32
    %dma_start3A_11 = tpu.memref_slice %arg7[%dma_start3A_9, %dma_start3A_10] : memref<40x128xi32, #tpu.memory_space<vmem>> -> memref<1x128xi32, #tpu.memory_space<vmem>>
    %dma_start3A_12 = tpu.memref_squeeze %dma_start3A_11 : memref<1x128xi32, #tpu.memory_space<vmem>> -> memref<128xi32, #tpu.memory_space<vmem>>
    %dma_start3A_13 = arith.constant 0 : i32
    %dma_start3A_14 = arith.constant 0 : i32
    %dma_start3A_15 = tpu.memref_slice %arg2[%dma_start3A_13, %dma_start3A_14] : memref<10000x128xf32, #tpu.memory_space<hbm>> -> memref<10000x128xf32, #tpu.memory_space<hbm>>
    tpu.enqueue_indirect_dma source(%dma_start3A_15 : memref<10000x128xf32, #tpu.memory_space<hbm>>) target(%arg10 : memref<128x128xf32, #tpu.memory_space<vmem>>) offsets(%dma_start3A_12 : memref<128xi32, #tpu.memory_space<vmem>>) semaphore(%arg13 : memref<!tpu.dma_semaphore, #tpu.memory_space<semaphore_mem>>)
    %scan3A = arith.constant 0 : i32
    %scan3A_16 = arith.constant 0 : i32
    %scan3A_17 = arith.constant 20 : i32
    %scan3A_18 = arith.addi %scan3A_16, %scan3A_17 : i32
    %scan3A_19 = arith.constant 1 : i32
    scf.for %scan3A_46 = %scan3A_16 to %scan3A_18 step %scan3A_19  : i32 {
      %mul3A_47 = arith.constant 2 : i32
      %mul3A_48 = arith.muli %mul3A_47, %scan3A_46 : i32
      %dma_wait3A = arith.constant 0 : i32
      %dma_wait3A_49 = tpu.memref_slice %arg7[%mul3A_48, %dma_wait3A] : memref<40x128xi32, #tpu.memory_space<vmem>> -> memref<1x128xi32, #tpu.memory_space<vmem>>
      %dma_wait3A_50 = tpu.memref_squeeze %dma_wait3A_49 : memref<1x128xi32, #tpu.memory_space<vmem>> -> memref<128xi32, #tpu.memory_space<vmem>>
      %dma_wait3A_51 = arith.constant 0 : i32
      %dma_wait3A_52 = arith.constant 0 : i32
      %dma_wait3A_53 = tpu.memref_slice %arg2[%dma_wait3A_51, %dma_wait3A_52] : memref<10000x128xf32, #tpu.memory_space<hbm>> -> memref<10000x128xf32, #tpu.memory_space<hbm>>
      tpu.wait_indirect_dma semaphore(%arg12 : memref<!tpu.dma_semaphore, #tpu.memory_space<semaphore_mem>>) src(%dma_wait3A_53 : memref<10000x128xf32, #tpu.memory_space<hbm>>) dst(%arg9 : memref<128x128xf32, #tpu.memory_space<vmem>>)
      "tpu.region"() ({
        %run_scoped3A = tpu.sem_alloc : memref<!tpu.dma_semaphore, #tpu.memory_space<semaphore_mem>>
        %dma_start3A_75 = arith.constant 0 : i32
        %dma_start3A_76 = tpu.memref_slice %arg8[%mul3A_48, %dma_start3A_75] : memref<40x128xi32, #tpu.memory_space<vmem>> -> memref<1x128xi32, #tpu.memory_space<vmem>>
        %dma_start3A_77 = tpu.memref_squeeze %dma_start3A_76 : memref<1x128xi32, #tpu.memory_space<vmem>> -> memref<128xi32, #tpu.memory_space<vmem>>
        %dma_start3A_78 = arith.constant 0 : i32
        %dma_start3A_79 = arith.constant 0 : i32
        %dma_start3A_80 = tpu.memref_slice %arg11[%dma_start3A_78, %dma_start3A_79] : memref<10112x128xf32, #tpu.memory_space<vmem_shared>> -> memref<10112x128xf32, #tpu.memory_space<vmem_shared>>
        tpu.enqueue_indirect_dma source(%arg9 : memref<128x128xf32, #tpu.memory_space<vmem>>) target(%dma_start3A_80 : memref<10112x128xf32, #tpu.memory_space<vmem_shared>>) offsets(%dma_start3A_77 : memref<128xi32, #tpu.memory_space<vmem>>) semaphore(%run_scoped3A : memref<!tpu.dma_semaphore, #tpu.memory_space<semaphore_mem>>) {add = true}
        %dma_wait3A_81 = arith.constant 0 : i32
        %dma_wait3A_82 = tpu.memref_slice %arg8[%mul3A_48, %dma_wait3A_81] : memref<40x128xi32, #tpu.memory_space<vmem>> -> memref<1x128xi32, #tpu.memory_space<vmem>>
        %dma_wait3A_83 = tpu.memref_squeeze %dma_wait3A_82 : memref<1x128xi32, #tpu.memory_space<vmem>> -> memref<128xi32, #tpu.memory_space<vmem>>
        %dma_wait3A_84 = arith.constant 0 : i32
        %dma_wait3A_85 = arith.constant 0 : i32
        %dma_wait3A_86 = tpu.memref_slice %arg11[%dma_wait3A_84, %dma_wait3A_85] : memref<10112x128xf32, #tpu.memory_space<vmem_shared>> -> memref<10112x128xf32, #tpu.memory_space<vmem_shared>>
        tpu.wait_indirect_dma semaphore(%run_scoped3A : memref<!tpu.dma_semaphore, #tpu.memory_space<semaphore_mem>>) src(%arg9 : memref<128x128xf32, #tpu.memory_space<vmem>>) dst(%dma_wait3A_86 : memref<10112x128xf32, #tpu.memory_space<vmem_shared>>)
        tpu.yield
      }) : () -> ()
      %add3A_54 = arith.constant 2 : i32
      %add3A_55 = arith.addi %mul3A_48, %add3A_54 : i32
      %lt3A = arith.constant 40 : i32
      %lt3A_56 = arith.cmpi slt, %add3A_55, %lt3A : i32
      %convert_element_type3A = arith.extui %lt3A_56 : i1 to i32
      %cond3A = arith.constant 0 : i32
      %cond3A_57 = arith.cmpi ne, %convert_element_type3A, %cond3A : i32
      scf.if %cond3A_57 {
        %add3A_75 = arith.constant 2 : i32
        %add3A_76 = arith.addi %mul3A_48, %add3A_75 : i32
        %dma_start3A_77 = arith.constant 0 : i32
        %dma_start3A_78 = tpu.memref_slice %arg7[%add3A_76, %dma_start3A_77] : memref<40x128xi32, #tpu.memory_space<vmem>> -> memref<1x128xi32, #tpu.memory_space<vmem>>
        %dma_start3A_79 = tpu.memref_squeeze %dma_start3A_78 : memref<1x128xi32, #tpu.memory_space<vmem>> -> memref<128xi32, #tpu.memory_space<vmem>>
        %dma_start3A_80 = arith.constant 0 : i32
        %dma_start3A_81 = arith.constant 0 : i32
        %dma_start3A_82 = tpu.memref_slice %arg2[%dma_start3A_80, %dma_start3A_81] : memref<10000x128xf32, #tpu.memory_space<hbm>> -> memref<10000x128xf32, #tpu.memory_space<hbm>>
        tpu.enqueue_indirect_dma source(%dma_start3A_82 : memref<10000x128xf32, #tpu.memory_space<hbm>>) target(%arg9 : memref<128x128xf32, #tpu.memory_space<vmem>>) offsets(%dma_start3A_79 : memref<128xi32, #tpu.memory_space<vmem>>) semaphore(%arg12 : memref<!tpu.dma_semaphore, #tpu.memory_space<semaphore_mem>>)
      } else {
      }
      %add3A_58 = arith.constant 1 : i32
      %add3A_59 = arith.addi %mul3A_48, %add3A_58 : i32
      %dma_wait3A_60 = arith.constant 0 : i32
      %dma_wait3A_61 = tpu.memref_slice %arg7[%add3A_59, %dma_wait3A_60] : memref<40x128xi32, #tpu.memory_space<vmem>> -> memref<1x128xi32, #tpu.memory_space<vmem>>
      %dma_wait3A_62 = tpu.memref_squeeze %dma_wait3A_61 : memref<1x128xi32, #tpu.memory_space<vmem>> -> memref<128xi32, #tpu.memory_space<vmem>>
      %dma_wait3A_63 = arith.constant 0 : i32
      %dma_wait3A_64 = arith.constant 0 : i32
      %dma_wait3A_65 = tpu.memref_slice %arg2[%dma_wait3A_63, %dma_wait3A_64] : memref<10000x128xf32, #tpu.memory_space<hbm>> -> memref<10000x128xf32, #tpu.memory_space<hbm>>
      tpu.wait_indirect_dma semaphore(%arg13 : memref<!tpu.dma_semaphore, #tpu.memory_space<semaphore_mem>>) src(%dma_wait3A_65 : memref<10000x128xf32, #tpu.memory_space<hbm>>) dst(%arg10 : memref<128x128xf32, #tpu.memory_space<vmem>>)
      %add3A_66 = arith.constant 1 : i32
      %add3A_67 = arith.addi %mul3A_48, %add3A_66 : i32
      "tpu.region"() ({
        %run_scoped3A = tpu.sem_alloc : memref<!tpu.dma_semaphore, #tpu.memory_space<semaphore_mem>>
        %dma_start3A_75 = arith.constant 0 : i32
        %dma_start3A_76 = tpu.memref_slice %arg8[%add3A_67, %dma_start3A_75] : memref<40x128xi32, #tpu.memory_space<vmem>> -> memref<1x128xi32, #tpu.memory_space<vmem>>
        %dma_start3A_77 = tpu.memref_squeeze %dma_start3A_76 : memref<1x128xi32, #tpu.memory_space<vmem>> -> memref<128xi32, #tpu.memory_space<vmem>>
        %dma_start3A_78 = arith.constant 0 : i32
        %dma_start3A_79 = arith.constant 0 : i32
        %dma_start3A_80 = tpu.memref_slice %arg11[%dma_start3A_78, %dma_start3A_79] : memref<10112x128xf32, #tpu.memory_space<vmem_shared>> -> memref<10112x128xf32, #tpu.memory_space<vmem_shared>>
        tpu.enqueue_indirect_dma source(%arg10 : memref<128x128xf32, #tpu.memory_space<vmem>>) target(%dma_start3A_80 : memref<10112x128xf32, #tpu.memory_space<vmem_shared>>) offsets(%dma_start3A_77 : memref<128xi32, #tpu.memory_space<vmem>>) semaphore(%run_scoped3A : memref<!tpu.dma_semaphore, #tpu.memory_space<semaphore_mem>>) {add = true}
        %dma_wait3A_81 = arith.constant 0 : i32
        %dma_wait3A_82 = tpu.memref_slice %arg8[%add3A_67, %dma_wait3A_81] : memref<40x128xi32, #tpu.memory_space<vmem>> -> memref<1x128xi32, #tpu.memory_space<vmem>>
        %dma_wait3A_83 = tpu.memref_squeeze %dma_wait3A_82 : memref<1x128xi32, #tpu.memory_space<vmem>> -> memref<128xi32, #tpu.memory_space<vmem>>
        %dma_wait3A_84 = arith.constant 0 : i32
        %dma_wait3A_85 = arith.constant 0 : i32
        %dma_wait3A_86 = tpu.memref_slice %arg11[%dma_wait3A_84, %dma_wait3A_85] : memref<10112x128xf32, #tpu.memory_space<vmem_shared>> -> memref<10112x128xf32, #tpu.memory_space<vmem_shared>>
        tpu.wait_indirect_dma semaphore(%run_scoped3A : memref<!tpu.dma_semaphore, #tpu.memory_space<semaphore_mem>>) src(%arg10 : memref<128x128xf32, #tpu.memory_space<vmem>>) dst(%dma_wait3A_86 : memref<10112x128xf32, #tpu.memory_space<vmem_shared>>)
        tpu.yield
      }) : () -> ()
      %add3A_68 = arith.constant 3 : i32
      %add3A_69 = arith.addi %mul3A_48, %add3A_68 : i32
      %lt3A_70 = arith.constant 40 : i32
      %lt3A_71 = arith.cmpi slt, %add3A_69, %lt3A_70 : i32
      %convert_element_type3A_72 = arith.extui %lt3A_71 : i1 to i32
      %cond3A_73 = arith.constant 0 : i32
      %cond3A_74 = arith.cmpi ne, %convert_element_type3A_72, %cond3A_73 : i32
      scf.if %cond3A_74 {
        %add3A_75 = arith.constant 3 : i32
        %add3A_76 = arith.addi %mul3A_48, %add3A_75 : i32
        %dma_start3A_77 = arith.constant 0 : i32
        %dma_start3A_78 = tpu.memref_slice %arg7[%add3A_76, %dma_start3A_77] : memref<40x128xi32, #tpu.memory_space<vmem>> -> memref<1x128xi32, #tpu.memory_space<vmem>>
        %dma_start3A_79 = tpu.memref_squeeze %dma_start3A_78 : memref<1x128xi32, #tpu.memory_space<vmem>> -> memref<128xi32, #tpu.memory_space<vmem>>
        %dma_start3A_80 = arith.constant 0 : i32
        %dma_start3A_81 = arith.constant 0 : i32
        %dma_start3A_82 = tpu.memref_slice %arg2[%dma_start3A_80, %dma_start3A_81] : memref<10000x128xf32, #tpu.memory_space<hbm>> -> memref<10000x128xf32, #tpu.memory_space<hbm>>
        tpu.enqueue_indirect_dma source(%dma_start3A_82 : memref<10000x128xf32, #tpu.memory_space<hbm>>) target(%arg10 : memref<128x128xf32, #tpu.memory_space<vmem>>) offsets(%dma_start3A_79 : memref<128xi32, #tpu.memory_space<vmem>>) semaphore(%arg13 : memref<!tpu.dma_semaphore, #tpu.memory_space<semaphore_mem>>)
      } else {
      }
    }
    %scan3A_20 = arith.constant 20 : i32
    "tpu.region"() ({
      %run_scoped3A = tpu.sem_alloc : memref<!tpu.dma_semaphore, #tpu.memory_space<semaphore_mem>>
      %dma_start3A_46 = arith.constant 40 : i32
      %dma_start3A_47 = arith.constant 0 : i32
      %dma_start3A_48 = tpu.memref_slice %arg3[%add3A, %dma_start3A_46, %dma_start3A_47] : memref<32x80x128xi32, #tpu.memory_space<hbm>> -> memref<1x40x128xi32, #tpu.memory_space<hbm>>
      %dma_start3A_49 = tpu.memref_squeeze %dma_start3A_48 : memref<1x40x128xi32, #tpu.memory_space<hbm>> -> memref<40x128xi32, #tpu.memory_space<hbm>>
      %dma_start3A_50 = arith.constant 40 : i32
      %dma_start3A_51 = arith.constant 0 : i32
      %dma_start3A_52 = tpu.memref_slice %arg3[%add3A, %dma_start3A_50, %dma_start3A_51] : memref<32x80x128xi32, #tpu.memory_space<hbm>> -> memref<1x40x128xi32, #tpu.memory_space<hbm>>
      %dma_start3A_53 = tpu.memref_squeeze %dma_start3A_52 : memref<1x40x128xi32, #tpu.memory_space<hbm>> -> memref<40x128xi32, #tpu.memory_space<hbm>>
      tpu.enqueue_dma source(%dma_start3A_53 : memref<40x128xi32, #tpu.memory_space<hbm>>) target(%arg7 : memref<40x128xi32, #tpu.memory_space<vmem>>) target_semaphore(%run_scoped3A : memref<!tpu.dma_semaphore, #tpu.memory_space<semaphore_mem>>)
      %dma_wait3A = arith.constant 40 : i32
      %dma_wait3A_54 = arith.constant 0 : i32
      %dma_wait3A_55 = tpu.memref_slice %arg3[%add3A, %dma_wait3A, %dma_wait3A_54] : memref<32x80x128xi32, #tpu.memory_space<hbm>> -> memref<1x40x128xi32, #tpu.memory_space<hbm>>
      %dma_wait3A_56 = tpu.memref_squeeze %dma_wait3A_55 : memref<1x40x128xi32, #tpu.memory_space<hbm>> -> memref<40x128xi32, #tpu.memory_space<hbm>>
      %dma_wait3A_57 = arith.constant 40 : i32
      %dma_wait3A_58 = arith.constant 0 : i32
      %dma_wait3A_59 = tpu.memref_slice %arg3[%add3A, %dma_wait3A_57, %dma_wait3A_58] : memref<32x80x128xi32, #tpu.memory_space<hbm>> -> memref<1x40x128xi32, #tpu.memory_space<hbm>>
      %dma_wait3A_60 = tpu.memref_squeeze %dma_wait3A_59 : memref<1x40x128xi32, #tpu.memory_space<hbm>> -> memref<40x128xi32, #tpu.memory_space<hbm>>
      tpu.wait_dma2 semaphore(%run_scoped3A : memref<!tpu.dma_semaphore, #tpu.memory_space<semaphore_mem>>) src(%dma_wait3A_60 : memref<40x128xi32, #tpu.memory_space<hbm>>) dst(%arg7 : memref<40x128xi32, #tpu.memory_space<vmem>>)
      tpu.yield
    }) : () -> ()
    "tpu.region"() ({
      %run_scoped3A = tpu.sem_alloc : memref<!tpu.dma_semaphore, #tpu.memory_space<semaphore_mem>>
      %dma_start3A_46 = arith.constant 40 : i32
      %dma_start3A_47 = arith.constant 0 : i32
      %dma_start3A_48 = tpu.memref_slice %arg4[%add3A, %dma_start3A_46, %dma_start3A_47] : memref<32x80x128xi32, #tpu.memory_space<hbm>> -> memref<1x40x128xi32, #tpu.memory_space<hbm>>
      %dma_start3A_49 = tpu.memref_squeeze %dma_start3A_48 : memref<1x40x128xi32, #tpu.memory_space<hbm>> -> memref<40x128xi32, #tpu.memory_space<hbm>>
      %dma_start3A_50 = arith.constant 40 : i32
      %dma_start3A_51 = arith.constant 0 : i32
      %dma_start3A_52 = tpu.memref_slice %arg4[%add3A, %dma_start3A_50, %dma_start3A_51] : memref<32x80x128xi32, #tpu.memory_space<hbm>> -> memref<1x40x128xi32, #tpu.memory_space<hbm>>
      %dma_start3A_53 = tpu.memref_squeeze %dma_start3A_52 : memref<1x40x128xi32, #tpu.memory_space<hbm>> -> memref<40x128xi32, #tpu.memory_space<hbm>>
      tpu.enqueue_dma source(%dma_start3A_53 : memref<40x128xi32, #tpu.memory_space<hbm>>) target(%arg8 : memref<40x128xi32, #tpu.memory_space<vmem>>) target_semaphore(%run_scoped3A : memref<!tpu.dma_semaphore, #tpu.memory_space<semaphore_mem>>)
      %dma_wait3A = arith.constant 40 : i32
      %dma_wait3A_54 = arith.constant 0 : i32
      %dma_wait3A_55 = tpu.memref_slice %arg4[%add3A, %dma_wait3A, %dma_wait3A_54] : memref<32x80x128xi32, #tpu.memory_space<hbm>> -> memref<1x40x128xi32, #tpu.memory_space<hbm>>
      %dma_wait3A_56 = tpu.memref_squeeze %dma_wait3A_55 : memref<1x40x128xi32, #tpu.memory_space<hbm>> -> memref<40x128xi32, #tpu.memory_space<hbm>>
      %dma_wait3A_57 = arith.constant 40 : i32
      %dma_wait3A_58 = arith.constant 0 : i32
      %dma_wait3A_59 = tpu.memref_slice %arg4[%add3A, %dma_wait3A_57, %dma_wait3A_58] : memref<32x80x128xi32, #tpu.memory_space<hbm>> -> memref<1x40x128xi32, #tpu.memory_space<hbm>>
      %dma_wait3A_60 = tpu.memref_squeeze %dma_wait3A_59 : memref<1x40x128xi32, #tpu.memory_space<hbm>> -> memref<40x128xi32, #tpu.memory_space<hbm>>
      tpu.wait_dma2 semaphore(%run_scoped3A : memref<!tpu.dma_semaphore, #tpu.memory_space<semaphore_mem>>) src(%dma_wait3A_60 : memref<40x128xi32, #tpu.memory_space<hbm>>) dst(%arg8 : memref<40x128xi32, #tpu.memory_space<vmem>>)
      tpu.yield
    }) : () -> ()
    %dma_start3A_21 = arith.constant 0 : i32
    %dma_start3A_22 = arith.constant 0 : i32
    %dma_start3A_23 = tpu.memref_slice %arg7[%dma_start3A_21, %dma_start3A_22] : memref<40x128xi32, #tpu.memory_space<vmem>> -> memref<1x128xi32, #tpu.memory_space<vmem>>
    %dma_start3A_24 = tpu.memref_squeeze %dma_start3A_23 : memref<1x128xi32, #tpu.memory_space<vmem>> -> memref<128xi32, #tpu.memory_space<vmem>>
    %dma_start3A_25 = arith.constant 0 : i32
    %dma_start3A_26 = arith.constant 0 : i32
    %dma_start3A_27 = tpu.memref_slice %arg2[%dma_start3A_25, %dma_start3A_26] : memref<10000x128xf32, #tpu.memory_space<hbm>> -> memref<10000x128xf32, #tpu.memory_space<hbm>>
    tpu.enqueue_indirect_dma source(%dma_start3A_27 : memref<10000x128xf32, #tpu.memory_space<hbm>>) target(%arg9 : memref<128x128xf32, #tpu.memory_space<vmem>>) offsets(%dma_start3A_24 : memref<128xi32, #tpu.memory_space<vmem>>) semaphore(%arg12 : memref<!tpu.dma_semaphore, #tpu.memory_space<semaphore_mem>>)
    %dma_start3A_28 = arith.constant 1 : i32
    %dma_start3A_29 = arith.constant 0 : i32
    %dma_start3A_30 = tpu.memref_slice %arg7[%dma_start3A_28, %dma_start3A_29] : memref<40x128xi32, #tpu.memory_space<vmem>> -> memref<1x128xi32, #tpu.memory_space<vmem>>
    %dma_start3A_31 = tpu.memref_squeeze %dma_start3A_30 : memref<1x128xi32, #tpu.memory_space<vmem>> -> memref<128xi32, #tpu.memory_space<vmem>>
    %dma_start3A_32 = arith.constant 0 : i32
    %dma_start3A_33 = arith.constant 0 : i32
    %dma_start3A_34 = tpu.memref_slice %arg2[%dma_start3A_32, %dma_start3A_33] : memref<10000x128xf32, #tpu.memory_space<hbm>> -> memref<10000x128xf32, #tpu.memory_space<hbm>>
    tpu.enqueue_indirect_dma source(%dma_start3A_34 : memref<10000x128xf32, #tpu.memory_space<hbm>>) target(%arg10 : memref<128x128xf32, #tpu.memory_space<vmem>>) offsets(%dma_start3A_31 : memref<128xi32, #tpu.memory_space<vmem>>) semaphore(%arg13 : memref<!tpu.dma_semaphore, #tpu.memory_space<semaphore_mem>>)
    %scan3A_35 = arith.constant 0 : i32
    %scan3A_36 = arith.constant 0 : i32
    %scan3A_37 = arith.constant 20 : i32
    %scan3A_38 = arith.addi %scan3A_36, %scan3A_37 : i32
    %scan3A_39 = arith.constant 1 : i32
    scf.for %scan3A_46 = %scan3A_36 to %scan3A_38 step %scan3A_39  : i32 {
      %mul3A_47 = arith.constant 2 : i32
      %mul3A_48 = arith.muli %mul3A_47, %scan3A_46 : i32
      %dma_wait3A = arith.constant 0 : i32
      %dma_wait3A_49 = tpu.memref_slice %arg7[%mul3A_48, %dma_wait3A] : memref<40x128xi32, #tpu.memory_space<vmem>> -> memref<1x128xi32, #tpu.memory_space<vmem>>
      %dma_wait3A_50 = tpu.memref_squeeze %dma_wait3A_49 : memref<1x128xi32, #tpu.memory_space<vmem>> -> memref<128xi32, #tpu.memory_space<vmem>>
      %dma_wait3A_51 = arith.constant 0 : i32
      %dma_wait3A_52 = arith.constant 0 : i32
      %dma_wait3A_53 = tpu.memref_slice %arg2[%dma_wait3A_51, %dma_wait3A_52] : memref<10000x128xf32, #tpu.memory_space<hbm>> -> memref<10000x128xf32, #tpu.memory_space<hbm>>
      tpu.wait_indirect_dma semaphore(%arg12 : memref<!tpu.dma_semaphore, #tpu.memory_space<semaphore_mem>>) src(%dma_wait3A_53 : memref<10000x128xf32, #tpu.memory_space<hbm>>) dst(%arg9 : memref<128x128xf32, #tpu.memory_space<vmem>>)
      "tpu.region"() ({
        %run_scoped3A = tpu.sem_alloc : memref<!tpu.dma_semaphore, #tpu.memory_space<semaphore_mem>>
        %dma_start3A_75 = arith.constant 0 : i32
        %dma_start3A_76 = tpu.memref_slice %arg8[%mul3A_48, %dma_start3A_75] : memref<40x128xi32, #tpu.memory_space<vmem>> -> memref<1x128xi32, #tpu.memory_space<vmem>>
        %dma_start3A_77 = tpu.memref_squeeze %dma_start3A_76 : memref<1x128xi32, #tpu.memory_space<vmem>> -> memref<128xi32, #tpu.memory_space<vmem>>
        %dma_start3A_78 = arith.constant 0 : i32
        %dma_start3A_79 = arith.constant 0 : i32
        %dma_start3A_80 = tpu.memref_slice %arg11[%dma_start3A_78, %dma_start3A_79] : memref<10112x128xf32, #tpu.memory_space<vmem_shared>> -> memref<10112x128xf32, #tpu.memory_space<vmem_shared>>
        tpu.enqueue_indirect_dma source(%arg9 : memref<128x128xf32, #tpu.memory_space<vmem>>) target(%dma_start3A_80 : memref<10112x128xf32, #tpu.memory_space<vmem_shared>>) offsets(%dma_start3A_77 : memref<128xi32, #tpu.memory_space<vmem>>) semaphore(%run_scoped3A : memref<!tpu.dma_semaphore, #tpu.memory_space<semaphore_mem>>) {add = true}
        %dma_wait3A_81 = arith.constant 0 : i32
        %dma_wait3A_82 = tpu.memref_slice %arg8[%mul3A_48, %dma_wait3A_81] : memref<40x128xi32, #tpu.memory_space<vmem>> -> memref<1x128xi32, #tpu.memory_space<vmem>>
        %dma_wait3A_83 = tpu.memref_squeeze %dma_wait3A_82 : memref<1x128xi32, #tpu.memory_space<vmem>> -> memref<128xi32, #tpu.memory_space<vmem>>
        %dma_wait3A_84 = arith.constant 0 : i32
        %dma_wait3A_85 = arith.constant 0 : i32
        %dma_wait3A_86 = tpu.memref_slice %arg11[%dma_wait3A_84, %dma_wait3A_85] : memref<10112x128xf32, #tpu.memory_space<vmem_shared>> -> memref<10112x128xf32, #tpu.memory_space<vmem_shared>>
        tpu.wait_indirect_dma semaphore(%run_scoped3A : memref<!tpu.dma_semaphore, #tpu.memory_space<semaphore_mem>>) src(%arg9 : memref<128x128xf32, #tpu.memory_space<vmem>>) dst(%dma_wait3A_86 : memref<10112x128xf32, #tpu.memory_space<vmem_shared>>)
        tpu.yield
      }) : () -> ()
      %add3A_54 = arith.constant 2 : i32
      %add3A_55 = arith.addi %mul3A_48, %add3A_54 : i32
      %lt3A = arith.constant 40 : i32
      %lt3A_56 = arith.cmpi slt, %add3A_55, %lt3A : i32
      %convert_element_type3A = arith.extui %lt3A_56 : i1 to i32
      %cond3A = arith.constant 0 : i32
      %cond3A_57 = arith.cmpi ne, %convert_element_type3A, %cond3A : i32
      scf.if %cond3A_57 {
        %add3A_75 = arith.constant 2 : i32
        %add3A_76 = arith.addi %mul3A_48, %add3A_75 : i32
        %dma_start3A_77 = arith.constant 0 : i32
        %dma_start3A_78 = tpu.memref_slice %arg7[%add3A_76, %dma_start3A_77] : memref<40x128xi32, #tpu.memory_space<vmem>> -> memref<1x128xi32, #tpu.memory_space<vmem>>
        %dma_start3A_79 = tpu.memref_squeeze %dma_start3A_78 : memref<1x128xi32, #tpu.memory_space<vmem>> -> memref<128xi32, #tpu.memory_space<vmem>>
        %dma_start3A_80 = arith.constant 0 : i32
        %dma_start3A_81 = arith.constant 0 : i32
        %dma_start3A_82 = tpu.memref_slice %arg2[%dma_start3A_80, %dma_start3A_81] : memref<10000x128xf32, #tpu.memory_space<hbm>> -> memref<10000x128xf32, #tpu.memory_space<hbm>>
        tpu.enqueue_indirect_dma source(%dma_start3A_82 : memref<10000x128xf32, #tpu.memory_space<hbm>>) target(%arg9 : memref<128x128xf32, #tpu.memory_space<vmem>>) offsets(%dma_start3A_79 : memref<128xi32, #tpu.memory_space<vmem>>) semaphore(%arg12 : memref<!tpu.dma_semaphore, #tpu.memory_space<semaphore_mem>>)
      } else {
      }
      %add3A_58 = arith.constant 1 : i32
      %add3A_59 = arith.addi %mul3A_48, %add3A_58 : i32
      %dma_wait3A_60 = arith.constant 0 : i32
      %dma_wait3A_61 = tpu.memref_slice %arg7[%add3A_59, %dma_wait3A_60] : memref<40x128xi32, #tpu.memory_space<vmem>> -> memref<1x128xi32, #tpu.memory_space<vmem>>
      %dma_wait3A_62 = tpu.memref_squeeze %dma_wait3A_61 : memref<1x128xi32, #tpu.memory_space<vmem>> -> memref<128xi32, #tpu.memory_space<vmem>>
      %dma_wait3A_63 = arith.constant 0 : i32
      %dma_wait3A_64 = arith.constant 0 : i32
      %dma_wait3A_65 = tpu.memref_slice %arg2[%dma_wait3A_63, %dma_wait3A_64] : memref<10000x128xf32, #tpu.memory_space<hbm>> -> memref<10000x128xf32, #tpu.memory_space<hbm>>
      tpu.wait_indirect_dma semaphore(%arg13 : memref<!tpu.dma_semaphore, #tpu.memory_space<semaphore_mem>>) src(%dma_wait3A_65 : memref<10000x128xf32, #tpu.memory_space<hbm>>) dst(%arg10 : memref<128x128xf32, #tpu.memory_space<vmem>>)
      %add3A_66 = arith.constant 1 : i32
      %add3A_67 = arith.addi %mul3A_48, %add3A_66 : i32
      "tpu.region"() ({
        %run_scoped3A = tpu.sem_alloc : memref<!tpu.dma_semaphore, #tpu.memory_space<semaphore_mem>>
        %dma_start3A_75 = arith.constant 0 : i32
        %dma_start3A_76 = tpu.memref_slice %arg8[%add3A_67, %dma_start3A_75] : memref<40x128xi32, #tpu.memory_space<vmem>> -> memref<1x128xi32, #tpu.memory_space<vmem>>
        %dma_start3A_77 = tpu.memref_squeeze %dma_start3A_76 : memref<1x128xi32, #tpu.memory_space<vmem>> -> memref<128xi32, #tpu.memory_space<vmem>>
        %dma_start3A_78 = arith.constant 0 : i32
        %dma_start3A_79 = arith.constant 0 : i32
        %dma_start3A_80 = tpu.memref_slice %arg11[%dma_start3A_78, %dma_start3A_79] : memref<10112x128xf32, #tpu.memory_space<vmem_shared>> -> memref<10112x128xf32, #tpu.memory_space<vmem_shared>>
        tpu.enqueue_indirect_dma source(%arg10 : memref<128x128xf32, #tpu.memory_space<vmem>>) target(%dma_start3A_80 : memref<10112x128xf32, #tpu.memory_space<vmem_shared>>) offsets(%dma_start3A_77 : memref<128xi32, #tpu.memory_space<vmem>>) semaphore(%run_scoped3A : memref<!tpu.dma_semaphore, #tpu.memory_space<semaphore_mem>>) {add = true}
        %dma_wait3A_81 = arith.constant 0 : i32
        %dma_wait3A_82 = tpu.memref_slice %arg8[%add3A_67, %dma_wait3A_81] : memref<40x128xi32, #tpu.memory_space<vmem>> -> memref<1x128xi32, #tpu.memory_space<vmem>>
        %dma_wait3A_83 = tpu.memref_squeeze %dma_wait3A_82 : memref<1x128xi32, #tpu.memory_space<vmem>> -> memref<128xi32, #tpu.memory_space<vmem>>
        %dma_wait3A_84 = arith.constant 0 : i32
        %dma_wait3A_85 = arith.constant 0 : i32
        %dma_wait3A_86 = tpu.memref_slice %arg11[%dma_wait3A_84, %dma_wait3A_85] : memref<10112x128xf32, #tpu.memory_space<vmem_shared>> -> memref<10112x128xf32, #tpu.memory_space<vmem_shared>>
        tpu.wait_indirect_dma semaphore(%run_scoped3A : memref<!tpu.dma_semaphore, #tpu.memory_space<semaphore_mem>>) src(%arg10 : memref<128x128xf32, #tpu.memory_space<vmem>>) dst(%dma_wait3A_86 : memref<10112x128xf32, #tpu.memory_space<vmem_shared>>)
        tpu.yield
      }) : () -> ()
      %add3A_68 = arith.constant 3 : i32
      %add3A_69 = arith.addi %mul3A_48, %add3A_68 : i32
      %lt3A_70 = arith.constant 40 : i32
      %lt3A_71 = arith.cmpi slt, %add3A_69, %lt3A_70 : i32
      %convert_element_type3A_72 = arith.extui %lt3A_71 : i1 to i32
      %cond3A_73 = arith.constant 0 : i32
      %cond3A_74 = arith.cmpi ne, %convert_element_type3A_72, %cond3A_73 : i32
      scf.if %cond3A_74 {
        %add3A_75 = arith.constant 3 : i32
        %add3A_76 = arith.addi %mul3A_48, %add3A_75 : i32
        %dma_start3A_77 = arith.constant 0 : i32
        %dma_start3A_78 = tpu.memref_slice %arg7[%add3A_76, %dma_start3A_77] : memref<40x128xi32, #tpu.memory_space<vmem>> -> memref<1x128xi32, #tpu.memory_space<vmem>>
        %dma_start3A_79 = tpu.memref_squeeze %dma_start3A_78 : memref<1x128xi32, #tpu.memory_space<vmem>> -> memref<128xi32, #tpu.memory_space<vmem>>
        %dma_start3A_80 = arith.constant 0 : i32
        %dma_start3A_81 = arith.constant 0 : i32
        %dma_start3A_82 = tpu.memref_slice %arg2[%dma_start3A_80, %dma_start3A_81] : memref<10000x128xf32, #tpu.memory_space<hbm>> -> memref<10000x128xf32, #tpu.memory_space<hbm>>
        tpu.enqueue_indirect_dma source(%dma_start3A_82 : memref<10000x128xf32, #tpu.memory_space<hbm>>) target(%arg10 : memref<128x128xf32, #tpu.memory_space<vmem>>) offsets(%dma_start3A_79 : memref<128xi32, #tpu.memory_space<vmem>>) semaphore(%arg13 : memref<!tpu.dma_semaphore, #tpu.memory_space<semaphore_mem>>)
      } else {
      }
    }
    %scan3A_40 = arith.constant 20 : i32
    %barrier3A_41 = arith.constant 0 : index
    tpu.barrier barrier_id(%barrier3A_41)
    %mul3A_42 = arith.constant 632 : i32
    %mul3A_43 = arith.muli %arg1, %mul3A_42 : i32
    %mul3A_44 = arith.constant 632 : i32
    %mul3A_45 = arith.muli %arg1, %mul3A_44 : i32
    "tpu.region"() ({
      %run_scoped3A = tpu.sem_alloc : memref<!tpu.dma_semaphore, #tpu.memory_space<semaphore_mem>>
      %dma_start3A_46 = arith.constant 0 : i32
      %dma_start3A_47 = tpu.memref_slice %arg6[%arg0, %mul3A_45, %dma_start3A_46] : memref<2x10112x128xf32, #tpu.memory_space<hbm>> -> memref<1x632x128xf32, #tpu.memory_space<hbm>>
      %dma_start3A_48 = tpu.memref_squeeze %dma_start3A_47 : memref<1x632x128xf32, #tpu.memory_space<hbm>> -> memref<632x128xf32, #tpu.memory_space<hbm>>
      %dma_start3A_49 = arith.constant 0 : i32
      %dma_start3A_50 = tpu.memref_slice %arg11[%mul3A_43, %dma_start3A_49] : memref<10112x128xf32, #tpu.memory_space<vmem_shared>> -> memref<632x128xf32, #tpu.memory_space<vmem_shared>>
      tpu.enqueue_dma source(%dma_start3A_50 : memref<632x128xf32, #tpu.memory_space<vmem_shared>>) target(%dma_start3A_48 : memref<632x128xf32, #tpu.memory_space<hbm>>) target_semaphore(%run_scoped3A : memref<!tpu.dma_semaphore, #tpu.memory_space<semaphore_mem>>)
      %dma_wait3A = arith.constant 0 : i32
      %dma_wait3A_51 = tpu.memref_slice %arg6[%arg0, %mul3A_45, %dma_wait3A] : memref<2x10112x128xf32, #tpu.memory_space<hbm>> -> memref<1x632x128xf32, #tpu.memory_space<hbm>>
      %dma_wait3A_52 = tpu.memref_squeeze %dma_wait3A_51 : memref<1x632x128xf32, #tpu.memory_space<hbm>> -> memref<632x128xf32, #tpu.memory_space<hbm>>
      %dma_wait3A_53 = arith.constant 0 : i32
      %dma_wait3A_54 = tpu.memref_slice %arg11[%mul3A_43, %dma_wait3A_53] : memref<10112x128xf32, #tpu.memory_space<vmem_shared>> -> memref<632x128xf32, #tpu.memory_space<vmem_shared>>
      tpu.wait_dma2 semaphore(%run_scoped3A : memref<!tpu.dma_semaphore, #tpu.memory_space<semaphore_mem>>) src(%dma_wait3A_54 : memref<632x128xf32, #tpu.memory_space<vmem_shared>>) dst(%dma_wait3A_52 : memref<632x128xf32, #tpu.memory_space<hbm>>)
      tpu.yield
    }) : () -> ()
    return
  }
}

module attributes {stable_mosaic.version = 14 : i64} {
  func.func @_tc_layer1_body(%arg0: i32, %arg1: memref<1x1000x128xf32, #tpu.memory_space<vmem>>, %arg2: memref<1x1000x128xf32, #tpu.memory_space<vmem>>, %arg3: memref<1000x128xf32, #tpu.memory_space<vmem>>, %arg4: memref<128x128xf32, #tpu.memory_space<vmem>>, %arg5: memref<128x128xf32, #tpu.memory_space<vmem>>, %arg6: memref<1x128xf32, #tpu.memory_space<vmem>>, %arg7: memref<1000x128xf32, #tpu.memory_space<vmem>>) attributes {dimension_semantics = [#tpu.dimension_semantics<arbitrary>], iteration_bounds = array<i64: 10>, scalar_prefetch = 0 : i64, scratch_operands = 0 : i64, tpu.core_type = #tpu.core_type<tc>, window_params = [{transform_indices = @transform_0, window_bounds = array<i64: 1, 1000, 128>}, {transform_indices = @transform_1, window_bounds = array<i64: 1, 1000, 128>}, {transform_indices = @transform_2, window_bounds = array<i64: 1000, 128>}, {pipeline_mode = #tpu.pipeline_mode<synchronous>, transform_indices = @transform_3, window_bounds = array<i64: 128, 128>}, {pipeline_mode = #tpu.pipeline_mode<synchronous>, transform_indices = @transform_4, window_bounds = array<i64: 128, 128>}, {pipeline_mode = #tpu.pipeline_mode<synchronous>, transform_indices = @transform_5, window_bounds = array<i64: 1, 128>}, {transform_indices = @transform_6, window_bounds = array<i64: 1000, 128>}]} {
    %get3A = arith.constant 0 : index
    %get3A_0 = arith.constant 0 : index
    %get3A_1 = arith.constant 0 : index
    %get3A_2 = vector.load %arg1[%get3A, %get3A_0, %get3A_1] : memref<1x1000x128xf32, #tpu.memory_space<vmem>>, vector<1x1000x128xf32>
    %get3A_3 = vector.shape_cast %get3A_2 : vector<1x1000x128xf32> to vector<1000x128xf32>
    %get3A_4 = arith.constant 0 : index
    %get3A_5 = arith.constant 0 : index
    %get3A_6 = arith.constant 0 : index
    %get3A_7 = vector.load %arg2[%get3A_4, %get3A_5, %get3A_6] : memref<1x1000x128xf32, #tpu.memory_space<vmem>>, vector<1x1000x128xf32>
    %get3A_8 = vector.shape_cast %get3A_7 : vector<1x1000x128xf32> to vector<1000x128xf32>
    %add3A = arith.addf %get3A_3, %get3A_8 : vector<1000x128xf32>
    %get3A_9 = arith.constant 0 : index
    %get3A_10 = arith.constant 0 : index
    %get3A_11 = vector.load %arg4[%get3A_9, %get3A_10] : memref<128x128xf32, #tpu.memory_space<vmem>>, vector<128x128xf32>
    %transpose3A = tpu.transpose %get3A_11, [1, 0] : vector<128x128xf32> -> vector<128x128xf32>
    %dot_general3A = arith.constant dense<0.000000e+00> : vector<1000x128xf32>
    %dot_general3A_12 = tpu.matmul %add3A, %transpose3A, %dot_general3A {dimension_numbers = #tpu.dot_dimension_numbers<[1], [0], [0], [1], [0, 0, 1, 1], [], []>, transpose_lhs_hint = false} : vector<1000x128xf32>, vector<128x128xf32>, vector<1000x128xf32> -> vector<1000x128xf32>
    %get3A_13 = arith.constant 0 : index
    %get3A_14 = arith.constant 0 : index
    %get3A_15 = vector.load %arg3[%get3A_13, %get3A_14] : memref<1000x128xf32, #tpu.memory_space<vmem>>, vector<1000x128xf32>
    %get3A_16 = arith.constant 0 : index
    %get3A_17 = arith.constant 0 : index
    %get3A_18 = vector.load %arg5[%get3A_16, %get3A_17] : memref<128x128xf32, #tpu.memory_space<vmem>>, vector<128x128xf32>
    %transpose3A_19 = tpu.transpose %get3A_18, [1, 0] : vector<128x128xf32> -> vector<128x128xf32>
    %dot_general3A_20 = arith.constant dense<0.000000e+00> : vector<1000x128xf32>
    %dot_general3A_21 = tpu.matmul %get3A_15, %transpose3A_19, %dot_general3A_20 {dimension_numbers = #tpu.dot_dimension_numbers<[1], [0], [0], [1], [0, 0, 1, 1], [], []>, transpose_lhs_hint = false} : vector<1000x128xf32>, vector<128x128xf32>, vector<1000x128xf32> -> vector<1000x128xf32>
    %add3A_22 = arith.addf %dot_general3A_12, %dot_general3A_21 : vector<1000x128xf32>
    %get3A_23 = arith.constant 0 : index
    %get3A_24 = arith.constant 0 : index
    %get3A_25 = vector.load %arg6[%get3A_23, %get3A_24] : memref<1x128xf32, #tpu.memory_space<vmem>>, vector<1x128xf32>
    %add3A_26 = vector.broadcast %get3A_25 : vector<1x128xf32> to vector<1000x128xf32>
    %add3A_27 = arith.addf %add3A_22, %add3A_26 : vector<1000x128xf32>
    %max3A = arith.constant 0.000000e+00 : f32
    %max3A_28 = vector.broadcast %max3A : f32 to vector<1000x128xf32>
    %max3A_29 = arith.maximumf %add3A_27, %max3A_28 : vector<1000x128xf32>
    %swap3A = arith.constant 0 : index
    %swap3A_30 = arith.constant 0 : index
    %swap3A_31 = vector.load %arg7[%swap3A, %swap3A_30] : memref<1000x128xf32, #tpu.memory_space<vmem>>, vector<1000x128xf32>
    tpu.vector_store %arg7[%swap3A, %swap3A_30], %max3A_29 {strides = array<i32>} : memref<1000x128xf32, #tpu.memory_space<vmem>>, vector<1000x128xf32>,
    return
  }
  func.func @transform_0(%arg0: i32) -> (i32, i32, i32) {
    %c0_i32 = arith.constant 0 : i32
    %c0_i32_0 = arith.constant 0 : i32
    %c0_i32_1 = arith.constant 0 : i32
    return %c0_i32, %arg0, %c0_i32_0 : i32, i32, i32
  }
  func.func @transform_1(%arg0: i32) -> (i32, i32, i32) {
    %c1_i32 = arith.constant 1 : i32
    %c0_i32 = arith.constant 0 : i32
    %c0_i32_0 = arith.constant 0 : i32
    return %c1_i32, %arg0, %c0_i32 : i32, i32, i32
  }
  func.func @transform_2(%arg0: i32) -> (i32, i32) {
    %c0_i32 = arith.constant 0 : i32
    %c0_i32_0 = arith.constant 0 : i32
    return %arg0, %c0_i32 : i32, i32
  }
  func.func @transform_3(%arg0: i32) -> (i32, i32) {
    %c0_i32 = arith.constant 0 : i32
    %c0_i32_0 = arith.constant 0 : i32
    %c0_i32_1 = arith.constant 0 : i32
    return %c0_i32, %c0_i32_0 : i32, i32
  }
  func.func @transform_4(%arg0: i32) -> (i32, i32) {
    %c0_i32 = arith.constant 0 : i32
    %c0_i32_0 = arith.constant 0 : i32
    %c0_i32_1 = arith.constant 0 : i32
    return %c0_i32, %c0_i32_0 : i32, i32
  }
  func.func @transform_5(%arg0: i32) -> (i32, i32) {
    %c0_i32 = arith.constant 0 : i32
    %c0_i32_0 = arith.constant 0 : i32
    %c0_i32_1 = arith.constant 0 : i32
    return %c0_i32, %c0_i32_0 : i32, i32
  }
  func.func @transform_6(%arg0: i32) -> (i32, i32) {
    %c0_i32 = arith.constant 0 : i32
    %c0_i32_0 = arith.constant 0 : i32
    return %arg0, %c0_i32 : i32, i32
  }
}

module attributes {stable_mosaic.version = 14 : i64} {
  func.func @_tc_layer2_body(%arg0: i32, %arg1: memref<1x1000x128xf32, #tpu.memory_space<vmem>>, %arg2: memref<1x1000x128xf32, #tpu.memory_space<vmem>>, %arg3: memref<1000x128xf32, #tpu.memory_space<vmem>>, %arg4: memref<128x128xf32, #tpu.memory_space<vmem>>, %arg5: memref<128x128xf32, #tpu.memory_space<vmem>>, %arg6: memref<1x128xf32, #tpu.memory_space<vmem>>, %arg7: memref<64x256xf32, #tpu.memory_space<vmem>>, %arg8: memref<1x64xf32, #tpu.memory_space<vmem>>, %arg9: memref<32x64xf32, #tpu.memory_space<vmem>>, %arg10: memref<1x32xf32, #tpu.memory_space<vmem>>, %arg11: memref<16x32xf32, #tpu.memory_space<vmem>>, %arg12: memref<1x16xf32, #tpu.memory_space<vmem>>, %arg13: memref<1000x16xf32, #tpu.memory_space<vmem>>) attributes {dimension_semantics = [#tpu.dimension_semantics<arbitrary>], iteration_bounds = array<i64: 10>, scalar_prefetch = 0 : i64, scratch_operands = 0 : i64, tpu.core_type = #tpu.core_type<tc>, window_params = [{transform_indices = @transform_0, window_bounds = array<i64: 1, 1000, 128>}, {transform_indices = @transform_1, window_bounds = array<i64: 1, 1000, 128>}, {transform_indices = @transform_2, window_bounds = array<i64: 1000, 128>}, {pipeline_mode = #tpu.pipeline_mode<synchronous>, transform_indices = @transform_3, window_bounds = array<i64: 128, 128>}, {pipeline_mode = #tpu.pipeline_mode<synchronous>, transform_indices = @transform_4, window_bounds = array<i64: 128, 128>}, {pipeline_mode = #tpu.pipeline_mode<synchronous>, transform_indices = @transform_5, window_bounds = array<i64: 1, 128>}, {pipeline_mode = #tpu.pipeline_mode<synchronous>, transform_indices = @transform_6, window_bounds = array<i64: 64, 256>}, {pipeline_mode = #tpu.pipeline_mode<synchronous>, transform_indices = @transform_7, window_bounds = array<i64: 1, 64>}, {pipeline_mode = #tpu.pipeline_mode<synchronous>, transform_indices = @transform_8, window_bounds = array<i64: 32, 64>}, {pipeline_mode = #tpu.pipeline_mode<synchronous>, transform_indices = @transform_9, window_bounds = array<i64: 1, 32>}, {pipeline_mode = #tpu.pipeline_mode<synchronous>, transform_indices = @transform_10, window_bounds = array<i64: 16, 32>}, {pipeline_mode = #tpu.pipeline_mode<synchronous>, transform_indices = @transform_11, window_bounds = array<i64: 1, 16>}, {transform_indices = @transform_12, window_bounds = array<i64: 1000, 16>}]} {
    %get3A = arith.constant 0 : index
    %get3A_0 = arith.constant 0 : index
    %get3A_1 = arith.constant 0 : index
    %get3A_2 = vector.load %arg1[%get3A, %get3A_0, %get3A_1] : memref<1x1000x128xf32, #tpu.memory_space<vmem>>, vector<1x1000x128xf32>
    %get3A_3 = vector.shape_cast %get3A_2 : vector<1x1000x128xf32> to vector<1000x128xf32>
    %get3A_4 = arith.constant 0 : index
    %get3A_5 = arith.constant 0 : index
    %get3A_6 = arith.constant 0 : index
    %get3A_7 = vector.load %arg2[%get3A_4, %get3A_5, %get3A_6] : memref<1x1000x128xf32, #tpu.memory_space<vmem>>, vector<1x1000x128xf32>
    %get3A_8 = vector.shape_cast %get3A_7 : vector<1x1000x128xf32> to vector<1000x128xf32>
    %add3A = arith.addf %get3A_3, %get3A_8 : vector<1000x128xf32>
    %get3A_9 = arith.constant 0 : index
    %get3A_10 = arith.constant 0 : index
    %get3A_11 = vector.load %arg4[%get3A_9, %get3A_10] : memref<128x128xf32, #tpu.memory_space<vmem>>, vector<128x128xf32>
    %transpose3A = tpu.transpose %get3A_11, [1, 0] : vector<128x128xf32> -> vector<128x128xf32>
    %dot_general3A = arith.constant dense<0.000000e+00> : vector<1000x128xf32>
    %dot_general3A_12 = tpu.matmul %add3A, %transpose3A, %dot_general3A {dimension_numbers = #tpu.dot_dimension_numbers<[1], [0], [0], [1], [0, 0, 1, 1], [], []>, transpose_lhs_hint = false} : vector<1000x128xf32>, vector<128x128xf32>, vector<1000x128xf32> -> vector<1000x128xf32>
    %get3A_13 = arith.constant 0 : index
    %get3A_14 = arith.constant 0 : index
    %get3A_15 = vector.load %arg3[%get3A_13, %get3A_14] : memref<1000x128xf32, #tpu.memory_space<vmem>>, vector<1000x128xf32>
    %get3A_16 = arith.constant 0 : index
    %get3A_17 = arith.constant 0 : index
    %get3A_18 = vector.load %arg5[%get3A_16, %get3A_17] : memref<128x128xf32, #tpu.memory_space<vmem>>, vector<128x128xf32>
    %transpose3A_19 = tpu.transpose %get3A_18, [1, 0] : vector<128x128xf32> -> vector<128x128xf32>
    %dot_general3A_20 = arith.constant dense<0.000000e+00> : vector<1000x128xf32>
    %dot_general3A_21 = tpu.matmul %get3A_15, %transpose3A_19, %dot_general3A_20 {dimension_numbers = #tpu.dot_dimension_numbers<[1], [0], [0], [1], [0, 0, 1, 1], [], []>, transpose_lhs_hint = false} : vector<1000x128xf32>, vector<128x128xf32>, vector<1000x128xf32> -> vector<1000x128xf32>
    %add3A_22 = arith.addf %dot_general3A_12, %dot_general3A_21 : vector<1000x128xf32>
    %get3A_23 = arith.constant 0 : index
    %get3A_24 = arith.constant 0 : index
    %get3A_25 = vector.load %arg6[%get3A_23, %get3A_24] : memref<1x128xf32, #tpu.memory_space<vmem>>, vector<1x128xf32>
    %add3A_26 = vector.broadcast %get3A_25 : vector<1x128xf32> to vector<1000x128xf32>
    %add3A_27 = arith.addf %add3A_22, %add3A_26 : vector<1000x128xf32>
    %max3A = arith.constant 0.000000e+00 : f32
    %max3A_28 = vector.broadcast %max3A : f32 to vector<1000x128xf32>
    %max3A_29 = arith.maximumf %add3A_27, %max3A_28 : vector<1000x128xf32>
    %get3A_30 = arith.constant 0 : index
    %get3A_31 = arith.constant 0 : index
    %get3A_32 = vector.load %arg7[%get3A_30, %get3A_31] : memref<64x256xf32, #tpu.memory_space<vmem>>, vector<64x256xf32>
    %get3A_33 = arith.constant 0 : index
    %get3A_34 = arith.constant 0 : index
    %get3A_35 = vector.load %arg3[%get3A_33, %get3A_34] : memref<1000x128xf32, #tpu.memory_space<vmem>>, vector<1000x128xf32>
    %slice3A = vector.extract_strided_slice %get3A_32 {offsets = [0, 0], sizes = [64, 128], strides = [1, 1]} : vector<64x256xf32> to vector<64x128xf32>
    %transpose3A_36 = tpu.transpose %slice3A, [1, 0] : vector<64x128xf32> -> vector<128x64xf32>
    %dot_general3A_37 = arith.constant dense<0.000000e+00> : vector<1000x64xf32>
    %dot_general3A_38 = tpu.matmul %get3A_35, %transpose3A_36, %dot_general3A_37 {dimension_numbers = #tpu.dot_dimension_numbers<[1], [0], [0], [1], [0, 0, 1, 1], [], []>, transpose_lhs_hint = false} : vector<1000x128xf32>, vector<128x64xf32>, vector<1000x64xf32> -> vector<1000x64xf32>
    %slice3A_39 = vector.extract_strided_slice %get3A_32 {offsets = [0, 128], sizes = [64, 128], strides = [1, 1]} : vector<64x256xf32> to vector<64x128xf32>
    %transpose3A_40 = tpu.transpose %slice3A_39, [1, 0] : vector<64x128xf32> -> vector<128x64xf32>
    %dot_general3A_41 = arith.constant dense<0.000000e+00> : vector<1000x64xf32>
    %dot_general3A_42 = tpu.matmul %max3A_29, %transpose3A_40, %dot_general3A_41 {dimension_numbers = #tpu.dot_dimension_numbers<[1], [0], [0], [1], [0, 0, 1, 1], [], []>, transpose_lhs_hint = false} : vector<1000x128xf32>, vector<128x64xf32>, vector<1000x64xf32> -> vector<1000x64xf32>
    %add3A_43 = arith.addf %dot_general3A_38, %dot_general3A_42 : vector<1000x64xf32>
    %get3A_44 = arith.constant 0 : index
    %get3A_45 = arith.constant 0 : index
    %get3A_46 = vector.load %arg8[%get3A_44, %get3A_45] : memref<1x64xf32, #tpu.memory_space<vmem>>, vector<1x64xf32>
    %add3A_47 = vector.broadcast %get3A_46 : vector<1x64xf32> to vector<1000x64xf32>
    %add3A_48 = arith.addf %add3A_43, %add3A_47 : vector<1000x64xf32>
    %max3A_49 = arith.constant 0.000000e+00 : f32
    %max3A_50 = vector.broadcast %max3A_49 : f32 to vector<1000x64xf32>
    %max3A_51 = arith.maximumf %add3A_48, %max3A_50 : vector<1000x64xf32>
    %get3A_52 = arith.constant 0 : index
    %get3A_53 = arith.constant 0 : index
    %get3A_54 = vector.load %arg9[%get3A_52, %get3A_53] : memref<32x64xf32, #tpu.memory_space<vmem>>, vector<32x64xf32>
    %transpose3A_55 = tpu.transpose %get3A_54, [1, 0] : vector<32x64xf32> -> vector<64x32xf32>
    %dot_general3A_56 = arith.constant dense<0.000000e+00> : vector<1000x32xf32>
    %dot_general3A_57 = tpu.matmul %max3A_51, %transpose3A_55, %dot_general3A_56 {dimension_numbers = #tpu.dot_dimension_numbers<[1], [0], [0], [1], [0, 0, 1, 1], [], []>, transpose_lhs_hint = false} : vector<1000x64xf32>, vector<64x32xf32>, vector<1000x32xf32> -> vector<1000x32xf32>
    %get3A_58 = arith.constant 0 : index
    %get3A_59 = arith.constant 0 : index
    %get3A_60 = vector.load %arg10[%get3A_58, %get3A_59] : memref<1x32xf32, #tpu.memory_space<vmem>>, vector<1x32xf32>
    %add3A_61 = vector.broadcast %get3A_60 : vector<1x32xf32> to vector<1000x32xf32>
    %add3A_62 = arith.addf %dot_general3A_57, %add3A_61 : vector<1000x32xf32>
    %max3A_63 = arith.constant 0.000000e+00 : f32
    %max3A_64 = vector.broadcast %max3A_63 : f32 to vector<1000x32xf32>
    %max3A_65 = arith.maximumf %add3A_62, %max3A_64 : vector<1000x32xf32>
    %get3A_66 = arith.constant 0 : index
    %get3A_67 = arith.constant 0 : index
    %get3A_68 = vector.load %arg11[%get3A_66, %get3A_67] : memref<16x32xf32, #tpu.memory_space<vmem>>, vector<16x32xf32>
    %transpose3A_69 = tpu.transpose %get3A_68, [1, 0] : vector<16x32xf32> -> vector<32x16xf32>
    %dot_general3A_70 = arith.constant dense<0.000000e+00> : vector<1000x16xf32>
    %dot_general3A_71 = tpu.matmul %max3A_65, %transpose3A_69, %dot_general3A_70 {dimension_numbers = #tpu.dot_dimension_numbers<[1], [0], [0], [1], [0, 0, 1, 1], [], []>, transpose_lhs_hint = false} : vector<1000x32xf32>, vector<32x16xf32>, vector<1000x16xf32> -> vector<1000x16xf32>
    %get3A_72 = arith.constant 0 : index
    %get3A_73 = arith.constant 0 : index
    %get3A_74 = vector.load %arg12[%get3A_72, %get3A_73] : memref<1x16xf32, #tpu.memory_space<vmem>>, vector<1x16xf32>
    %add3A_75 = vector.broadcast %get3A_74 : vector<1x16xf32> to vector<1000x16xf32>
    %add3A_76 = arith.addf %dot_general3A_71, %add3A_75 : vector<1000x16xf32>
    %swap3A = arith.constant 0 : index
    %swap3A_77 = arith.constant 0 : index
    %swap3A_78 = vector.load %arg13[%swap3A, %swap3A_77] : memref<1000x16xf32, #tpu.memory_space<vmem>>, vector<1000x16xf32>
    tpu.vector_store %arg13[%swap3A, %swap3A_77], %add3A_76 {strides = array<i32>} : memref<1000x16xf32, #tpu.memory_space<vmem>>, vector<1000x16xf32>,
    return
  }
  func.func @transform_0(%arg0: i32) -> (i32, i32, i32) {
    %c0_i32 = arith.constant 0 : i32
    %c0_i32_0 = arith.constant 0 : i32
    %c0_i32_1 = arith.constant 0 : i32
    return %c0_i32, %arg0, %c0_i32_0 : i32, i32, i32
  }
  func.func @transform_1(%arg0: i32) -> (i32, i32, i32) {
    %c1_i32 = arith.constant 1 : i32
    %c0_i32 = arith.constant 0 : i32
    %c0_i32_0 = arith.constant 0 : i32
    return %c1_i32, %arg0, %c0_i32 : i32, i32, i32
  }
  func.func @transform_2(%arg0: i32) -> (i32, i32) {
    %c0_i32 = arith.constant 0 : i32
    %c0_i32_0 = arith.constant 0 : i32
    return %arg0, %c0_i32 : i32, i32
  }
  func.func @transform_3(%arg0: i32) -> (i32, i32) {
    %c0_i32 = arith.constant 0 : i32
    %c0_i32_0 = arith.constant 0 : i32
    %c0_i32_1 = arith.constant 0 : i32
    return %c0_i32, %c0_i32_0 : i32, i32
  }
  func.func @transform_4(%arg0: i32) -> (i32, i32) {
    %c0_i32 = arith.constant 0 : i32
    %c0_i32_0 = arith.constant 0 : i32
    %c0_i32_1 = arith.constant 0 : i32
    return %c0_i32, %c0_i32_0 : i32, i32
  }
  func.func @transform_5(%arg0: i32) -> (i32, i32) {
    %c0_i32 = arith.constant 0 : i32
    %c0_i32_0 = arith.constant 0 : i32
    %c0_i32_1 = arith.constant 0 : i32
    return %c0_i32, %c0_i32_0 : i32, i32
  }
  func.func @transform_6(%arg0: i32) -> (i32, i32) {
    %c0_i32 = arith.constant 0 : i32
    %c0_i32_0 = arith.constant 0 : i32
    %c0_i32_1 = arith.constant 0 : i32
    return %c0_i32, %c0_i32_0 : i32, i32
  }
  func.func @transform_7(%arg0: i32) -> (i32, i32) {
    %c0_i32 = arith.constant 0 : i32
    %c0_i32_0 = arith.constant 0 : i32
    %c0_i32_1 = arith.constant 0 : i32
    return %c0_i32, %c0_i32_0 : i32, i32
  }
  func.func @transform_8(%arg0: i32) -> (i32, i32) {
    %c0_i32 = arith.constant 0 : i32
    %c0_i32_0 = arith.constant 0 : i32
    %c0_i32_1 = arith.constant 0 : i32
    return %c0_i32, %c0_i32_0 : i32, i32
  }
  func.func @transform_9(%arg0: i32) -> (i32, i32) {
    %c0_i32 = arith.constant 0 : i32
    %c0_i32_0 = arith.constant 0 : i32
    %c0_i32_1 = arith.constant 0 : i32
    return %c0_i32, %c0_i32_0 : i32, i32
  }
  func.func @transform_10(%arg0: i32) -> (i32, i32) {
    %c0_i32 = arith.constant 0 : i32
    %c0_i32_0 = arith.constant 0 : i32
    %c0_i32_1 = arith.constant 0 : i32
    return %c0_i32, %c0_i32_0 : i32, i32
  }
  func.func @transform_11(%arg0: i32) -> (i32, i32) {
    %c0_i32 = arith.constant 0 : i32
    %c0_i32_0 = arith.constant 0 : i32
    %c0_i32_1 = arith.constant 0 : i32
    return %c0_i32, %c0_i32_0 : i32, i32
  }
  func.func @transform_12(%arg0: i32) -> (i32, i32) {
    %c0_i32 = arith.constant 0 : i32
    %c0_i32_0 = arith.constant 0 : i32
    return %arg0, %c0_i32 : i32, i32
  }
}

</mosaic_0001>

<sc_bundles>
// kernel: kernel.6.cloned.1.call-start
scs
__scs_entry_jumppad:
0x0: {  	(pc) =	sbr.rel $0x88, $3  }
0x1: {  	(tag) =	ssettag $0x0;
	lr =	simm.s32 $0x1  }
0x2: {  	[smem:$0x3F93] =	sst lr;
	_ =	strace $0xD0000000  }
0x3: {  	_ = 	snop  }
0x4: {  	_ = 	snop  }
0x5: {  	_ = 	snop  }
0x6: {  	_ = 	snop  }
0x7: {  	_ = 	snop  }
__scs_overlays_trampoline_lowered:
0x8: {  	[smem:$0x3FA2] =	sst s0  }
0x9: {  	[smem:$0x3FA3] =	sst s1  }
0xa: {  	[smem:$0x3FA4] =	sst s2  }
0xb: {  	[smem:$0x3FA5] =	sst s3  }
0xc: {  	[smem:$0x3FA6] =	sst s4  }
0xd: {  	[smem:$0x3FA7] =	sst s5  }
0xe: {  	[smem:$0x3FA8] =	sst s6  }
0xf: {  	[smem:$0x3FA9] =	sst s7  }
0x10: {  	[smem:$0x3FAA] =	sst s8  }
0x11: {  	[smem:$0x3FAB] =	sst s9;
	s0 =	simm.s32 @!p0 $0x0  }
0x12: {  	s1 =	sld [smem:$0x3F91];
	s0 =	simm.s32 @p0 $0x1  }
0x13: {  	[smem:$0x3FAC] =	sst s0;
	s0 =	simm.s32 @!p1 $0x0  }
0x14: {  	s2 =	sld [smem:$0x3F90];
	s0 =	simm.s32 @p1 $0x1  }
0x15: {  	[smem:$0x3FAD] =	sst s0;
	s0 =	simm.s32 @!p2 $0x0  }
0x16: {  	s3 =	sld [smem:$0x3FDB];
	s0 =	simm.s32 @p2 $0x1  }
0x17: {  	s4 =	simm.s32 $0x1BF5;
	[smem:$0x3FAF] =	sst s0  }
0x18: {  	s0 =	sld [smem:$0x3F92];
	_ =	swait.ge [sflag:s4], $0x0  }
0x19: {  	s7 =	sld [smem:$0x3F93]  }
0x1a: {  	s8 =	sadd.s32 $0xFFFFE003, lr  }
0x1b: {  	s9 =	sadd.s32 $0xFFFFFEF7, lr;
	s5 =	simm.s32 $0xFFFFFFFF;
	p2 =	slt.u32 s8, $0xFFFFF086  }
0x1c: {  	p1 =	slt.u32 s9, $0xF7A;
	s5 =	simm.s32 @!p2 $0x0  }
0x1d: {  	s5 =	simm.s32 @p1 $0x1;
	p0 =	seq.s32 s7, s2  }
0x1e: {  	s7 =	smul.u32 @!p0 $0xF7A, s2;
	p2 =	seq.s32 @!p0 s5, $0x0  }
0x1f: {  	s9 =	smul.u32 $0xF7A, s1;
	s8 =	simm.s32 @!p0 $0x1BF5;
	p2 =	por !p2, p0  }
0x20: {  	[sflag:s8] =	ssyncset.s32 @!p0 $0xFFFFF086;
	s6 =	sadd.s32 @!p0 s3, s7;
	s7 =	simm.s32 @!p0 $0x108  }
0x21: {  	s3 =	sadd.s32 s3, s9;
	s6 =	sadd.s32 @!p0 $0x88, s6;
	s7 =	simm.s32 @p2 $0x1082  }
0x22: {  	[simem:s7], [sflag:s8] =	dma.local @!p0 [hbm:s6], $0xF7A  }
0x23: {  	s9 =	sor.u32 $0xD0000000, s2;
	s6 =	simm.s32 $0x108;
	_ =	swait.ge @!p0 [sflag:s8], $0x0  }
0x24: {  	s3 =	sadd.s32 $0x88, s3;
	s6 =	simm.s32 @!p1 $0x1082;
	[sflag:s4] =	ssyncset.s32 $0xFFFFF086  }
0x25: {  	[simem:s6], [sflag:s4] =	dma.local [hbm:s3], $0xF7A  }
0x26: {  	[smem:$0x3F93] =	sst s1;
	(tag) =	ssettag s2;
	_ =	strace s9  }
0x27: {  	s1 =	sld [smem:$0x3FA3]  }
0x28: {  	s2 =	sld [smem:$0x3FA4]  }
0x29: {  	s4 =	sld [smem:$0x3FA6]  }
0x2a: {  	p0 =	seq.s32 s5, $0x0;
	s5 =	sld [smem:$0x3FA7]  }
0x2b: {  	s6 =	sld [smem:$0x3FA8]  }
0x2c: {  	s7 =	sld [smem:$0x3FA9]  }
0x2d: {  	s3 =	simm.s32 $0x108;
	s8 =	sld [smem:$0x3FAA]  }
0x2e: {  	s3 =	simm.s32 @!p0 $0x1082;
	s9 =	sld [smem:$0x3FAB]  }
0x2f: {  	lr =	sadd.s32 s0, s3;
	s0 =	sld [smem:$0x3FA2]  }
0x30: {  	s3 =	sld [smem:$0x3FA5]  }
0x31: {  	[smem:$0x3FAE] =	sst s10  }
0x32: {  	s10 =	sld [smem:$0x3FAC];
	_ =	sdelay $0x3  }
0x33: {  	p0 =	seq.s32 s10, $0x1;
	s10 =	sld [smem:$0x3FAE];
	_ =	sdelay $0x3  }
0x34: {  	[smem:$0x3FAE] =	sst s10  }
0x35: {  	s10 =	sld [smem:$0x3FAD];
	_ =	sdelay $0x3  }
0x36: {  	p1 =	seq.s32 s10, $0x1;
	s10 =	sld [smem:$0x3FAE];
	_ =	sdelay $0x3  }
0x37: {  	[smem:$0x3FAE] =	sst s10  }
0x38: {  	s10 =	sld [smem:$0x3FAF]  }
0x39: {  	_ = 	snop;
	(pc) =	sbr.ind lr, $3  }
0x3a: {  	_ = 	snop  }
0x3b: {  	_ = 	snop  }
0x3c: {  	p2 =	seq.s32 s10, $0x1;
	s10 =	sld [smem:$0x3FAE]  }
0x3d: {  	_ =	shalt  }
0x3e: {  	_ =	shalt  }
0x3f: {  	_ =	shalt  }
0x40: {  	_ =	shalt  }
0x41: {  	_ =	shalt  }
0x42: {  	_ =	shalt  }
0x43: {  	_ =	shalt  }
0x44: {  	_ =	shalt  }
0x45: {  	_ =	shalt  }
0x46: {  	_ =	shalt  }
0x47: {  	_ =	shalt  }
0x48: {  	_ =	shalt  }
0x49: {  	_ =	shalt  }
0x4a: {  	_ =	shalt  }
0x4b: {  	_ =	shalt  }
0x4c: {  	_ =	shalt  }
0x4d: {  	_ =	shalt  }
0x4e: {  	_ =	shalt  }
0x4f: {  	_ =	shalt  }
0x50: {  	_ =	shalt  }
0x51: {  	_ =	shalt  }
0x52: {  	_ =	shalt  }
0x53: {  	_ =	shalt  }
0x54: {  	_ =	shalt  }
0x55: {  	_ =	shalt  }
0x56: {  	_ =	shalt  }
0x57: {  	_ =	shalt  }
0x58: {  	_ =	shalt  }
0x59: {  	_ =	shalt  }
0x5a: {  	_ =	shalt  }
0x5b: {  	_ =	shalt  }
0x5c: {  	_ =	shalt  }
0x5d: {  	_ =	shalt  }
0x5e: {  	_ =	shalt  }
0x5f: {  	_ =	shalt  }
0x60: {  	_ =	shalt  }
0x61: {  	_ =	shalt  }
0x62: {  	_ =	shalt  }
0x63: {  	_ =	shalt  }
0x64: {  	_ =	shalt  }
0x65: {  	_ =	shalt  }
0x66: {  	_ =	shalt  }
0x67: {  	_ =	shalt  }
0x68: {  	_ =	shalt  }
0x69: {  	_ =	shalt  }
0x6a: {  	_ =	shalt  }
0x6b: {  	_ =	shalt  }
0x6c: {  	_ =	shalt  }
0x6d: {  	_ =	shalt  }
0x6e: {  	_ =	shalt  }
0x6f: {  	_ =	shalt  }
0x70: {  	_ =	shalt  }
0x71: {  	_ =	shalt  }
0x72: {  	_ =	shalt  }
0x73: {  	_ =	shalt  }
0x74: {  	_ =	shalt  }
0x75: {  	_ =	shalt  }
0x76: {  	_ =	shalt  }
0x77: {  	_ =	shalt  }
0x78: {  	_ =	shalt  }
0x79: {  	_ =	shalt  }
0x7a: {  	_ =	shalt  }
0x7b: {  	_ =	shalt  }
0x7c: {  	_ =	shalt  }
0x7d: {  	_ =	shalt  }
0x7e: {  	_ =	shalt  }
0x7f: {  	_ =	shalt  }
0x80: {  	_ =	shalt  }
0x81: {  	_ =	shalt  }
0x82: {  	_ =	shalt  }
0x83: {  	_ =	shalt  }
0x84: {  	_ =	shalt  }
0x85: {  	_ =	shalt  }
0x86: {  	_ =	shalt  }
0x87: {  	_ =	shalt  }
.Lfunc_end0:
.L_simem_size_0:
called_computation_lowered:
.L_overlay_start_0:
0x88: {  	s2 =	sld [smem:$0x3FD9]  }
0x89: {  	s3 =	sld [smem:$0x3FFE];
	_ =	sdelay $0x1  }
0x8a: {  	s1 =	srdreg.scid  }
0x8b: {  	s0 =	sand.u32 $0x1, s1  }
0x8c: {  	s17 =	sshll.u32 s0, $0xA;
	s2 =	sadd.s32 s3, s2  }
0x8d: {  	s2 =	sadd.s32 s2, s17  }
0x8e: {  	[smem:$0x3FBA] =	sst s2  }
0x8f: {  	_ = 	snop  }
0x90: {  	s2 =	sld [smem:$0x3FC9]  }
0x91: {  	s18 =	sld [smem:$0x3FD0];
	(tm) =	ssettm $0x1  }
0x92: {  	s4 =	sld [smem:$0x3FFB];
	_ =	sdelay $0x3  }
0x93: {  	_ =	strace s4  }
0x94: {  	s4 =	sld [smem:$0x3FFC];
	_ =	sdelay $0x3  }
0x95: {  	_ =	strace s4  }
0x96: {  	s4 =	sld [smem:$0x3FFD];
	_ =	sdelay $0x3  }
0x97: {  	_ =	strace s4  }
0x98: {  	_ =	strace $0x8FFFFFFF  }
0x99: {  	s19 =	sld [smem:$0x3FDB];
	_ =	sdelay $0x1  }
0x9a: {  	s5 =	simm.s32 $_scs_section_size  }
0x9b: {  	s6 =	simm.s32 $_size__tile_overlayer_lowered;
	s7 =	simm.s32 $_tile_overlayer_lowered  }
0x9c: {  	s22 =	simm.s32 $0x1BFF;
	s21 =	sshll.u32 s7, $0x1;
	s4 =	sadd.s32 s5, s19  }
0x9d: {  	s8 =	simm.s32 $0x0;
	s20 =	sshll.u32 s6, $0x1;
	s6 =	sadd.s32 s21, s4  }
0x9e: {  	[timem:s8], [sflag:s22] =	dma.local [hbm:s6], s20  }
0x9f: {  	_ =	swait.ge [sflag:s22], s20  }
0xa0: {  	s5 =	ssub.s32 $0x0, s20;
	[sflag:s22] =	ssyncset.done $0x0  }
0xa1: {  	[sflag:s22] =	ssyncadd.s32 s5;
	_ =	sdelay $0x1  }
0xa2: {  	s23 =	simm.s32 $0x1B8B  }
0xa3: {  	_ =	swait.ge [sflag:s23], $0x1  }
0xa4: {  	[sflag:s23] =	ssyncset.done $0x0  }
0xa5: {  	s25 =	simm.s32 $0x1B8E;
	s24 =	sld [smem:$0x3FFE];
	[sflag:s23] =	ssyncadd.s32 $0xFFFFFFFF  }
0xa6: {  	s26 =	simm.s32 $execute0_lowered;
	[smem:$0x3FD2] =	sst s25  }
0xa7: {  	s6 =	sshll.u32 s26, $0x1;
	_ =	strace $0x80000046;
	[dreg:$0x1] =	wrdreg $0xFFFFFFFF  }
0xa8: {  	s28 =	simm.s32 $_size_execute0_lowered;
	s4 =	sadd.s32 s4, s6;
	[dreg:$0x0] =	wrdreg $0x0  }
0xa9: {  	s6 =	sshll.u32 s28, $0x1;
	[dreg:$0x2] =	wrdreg s4  }
0xaa: {  	[dreg:$0x3] =	wrdreg s6  }
0xab: {  	[dreg:$0x4] =	wrdreg $0xC0  }
0xac: {  	_ =	task [dreg:s8], $0x5FFFF  }
0xad: {  	[dreg:$0x1] =	wrdreg $0xFFFFFFFF  }
0xae: {  	[dreg:$0x0] =	wrdreg $0x60  }
0xaf: {  	[dreg:$0x2] =	wrdreg s2  }
0xb0: {  	[dreg:$0x3] =	wrdreg s24  }
0xb1: {  	[dreg:$0x4] =	wrdreg s18  }
0xb2: {  	[dreg:$0x5] =	wrdreg $0xA8000  }
0xb3: {  	[dreg:$0x6] =	wrdreg $0x9  }
0xb4: {  	_ =	task.clear_ibuf [dreg:s8], $0x7FFFF;
	_ =	strace $0x90000046  }
0xb5: {  	s29 =	simm.s32 $0x9;
	_ =	strace $0x80000048  }
0xb6: {  	_ =	swait.ge [sflag:s29], $0x1  }
0xb7: {  	[sflag:s29] =	ssyncadd.s32 $0xFFFFFFFF  }
0xb8: {  	_ =	strace $0x90000048  }
0xb9: {  	_ =	sfence  }
0xba: {  	s30 =	sld [smem:$0x0];
	_ =	sdelay $0x2  }
0xbb: {  	s31 =	sshll.u32 s1, $0xD;
	s1 =	sshrl.u32 s1, $0x2  }
0xbc: {  	s3 =	sand.u32 $0x4000, s31;
	s1 =	sadd.s32 s1, s30  }
0xbd: {  	s0 =	sor.u32 s3, s0;
	s1 =	sshll.u32 s1, $0x11  }
0xbe: {  	s0 =	sor.u32 s1, s0  }
0xbf: {  	s0 =	sadd.s32 $0x8F2B, s0  }
0xc0: {  	[sflag:s0] =	ssyncadd.remote.s32 $0x1  }
0xc1: {  	_ =	sfence.sel $0xFFFF  }
0xc2: {  	[dreg:$0x0] =	wrdreg $0xFFFFFFFF;
	(pc) =	sbr.abs _section_cstart, $3  }
0xc3: {  	[dreg:$0x1] =	wrdreg $0xFFFFFFFF  }
0xc4: {  	_ =	task.clear_ibuf [dreg:s8], $0x2FFFF;
	_ =	strace $0x9FFFFFFF  }
0xc5: {  	(tm) =	ssettm $0x7FFFFFFF  }
tec
execute0_lowered:
.L_overlay_start_1:
0x0: {  	(tag) =	ssettag $0x1  }
0x1: {  	s0 =	rddreg [dreg:$0x0]  }
0x2: {  	s6 =	rddreg [dreg:$0x1]  }
0x3: {  	s3 =	rddreg [dreg:$0x2];
	s1 =	srdreg.scid  }
0x4: {  	s4 =	rddreg [dreg:$0x3];
	s2 =	stileid.u32  }
0x5: {  	s5 =	simm.s32 $0x0;
	s16 =	simm.s32 $0x80;
	s17 =	simm.s32 $0x2800  }
0x6: {  	s18 =	simm.s32 $0x6800;
	s19 =	simm.s32 $0x1;
	s20 =	simm.s32 $0x2  }
0x7: {  	s21 =	simm.s32 $0x2700;
	s22 =	simm.s32 $0x2780;
	s23 =	simm.s32 $0x0  }
0x8: {  	s7 =	sand.u32 $0x1, s1;
	s1 =	rddreg [dreg:$0x4];
	s9 =	smul.u32 $0x13C00, s2  }
0x9: {  	[smem:$0x7FF] =	sst s5;
	s10 =	sadd.s32 $0x2A00, s6;
	s12 =	smul.u32 $0x4F000, s2  }
0xa: {  	s11 =	sadd.s32 $0xCA00, s6;
	s30 =	sshll.u32 s2, $0x6;
	s8 =	smul.u32 $0x13C000, s7  }
0xb: {  	_ =	strace $0x80000047;
	s25 =	sshll.u32 s7, $0x4;
	s7 =	ssub.s32 $0x2, s7  }
0xc: {  	s26 =	sshrl.u32 s7, $0x1;
	s8 =	sadd.s32 s9, s8;
	s9 =	sor.u32 s2, s25  }
0xd: {  	s29 =	sshrl.u32 s12, $0x2;
	s14 =	ssub.s32 s7, s26;
	s28 =	smul.u32 $0x2800, s9  }
0xe: {  	s15 =	sadd.s32 s29, s4;
	s8 =	sshrl.u32 s8, $0x3;
	s12 =	smax.u32 s14, $0x1  }
0xf: {  	s14 =	simm.s32 $0x3;
	s13 =	sadd.s32 s8, s6;
	s9 =	sshrl.u32 s28, $0x3  }
0x10: {  	s6 =	sor.u32 $0x1C03, s30;
	s7 =	sadd.s32 s10, s9;
	s31 =	sadd.s32 $0x280, s9  }
0x11: {  	s8 =	sadd.s32 s11, s9;
	s9 =	sadd.s32 s10, s31;
	s10 =	sadd.s32 s11, s31  }
0x12: {  	s11 =	sadd.s32 $0x16A00, s13;
	s13 =	sshrl.u32 s15, $0x3;
	s15 =	simm.s32 $0x1400  }
.LBB2_1:
0x13: {  	[spmem:s13], [sflag:s6] =	dma.local [hbm:s3], $0x2780  }
0x14: {  	_ =	swait.ge [sflag:s14], $0x2780  }
0x15: {  	[sflag:s14] =	ssyncset.done $0x0  }
0x16: {  	[sflag:s14] =	ssyncadd.s32 $0xFFFFD880  }
0x17: {  	[bflag:$0x0] =	sbarrier.arrive $0xFFFF  }
0x18: {  	[tilespmem:s5], [sflag:$0x3] =	stream.linear.gather [hbm4b:s7+s5], $0x1400, $0x38;
	[tilespmem:$0x1E400] =	vst v63  }
0x19: {  	_ =	swait.ge [sflag:s14], $0x1400  }
0x1a: {  	[sflag:s14] =	ssyncset.done $0x0  }
0x1b: {  	[sflag:s14] =	ssyncadd.s32 $0xFFFFEC00  }
0x1c: {  	[tilespmem:s15], [sflag:$0x3] =	stream.linear.gather [hbm4b:s8+s5], $0x1400, $0x38;
	[tilespmem:$0x1E400] =	vst v63  }
0x1d: {  	_ =	swait.ge [sflag:s14], $0x1400  }
0x1e: {  	[sflag:s14] =	ssyncset.done $0x0  }
0x1f: {  	[sflag:s14] =	ssyncadd.s32 $0xFFFFEC00  }
0x20: {  	[tilespmem:s17], [sflag:$0x1] =	stream.indirect.gather [hbm4b:s0+s16], $0x80, s5, s16, $0xb8;
	[tilespmem:$0x1E400] =	vst v63  }
0x21: {  	_ = 	snop  }
0x22: {  	[tilespmem:s18], [sflag:$0x2] =	stream.indirect.gather [hbm4b:s0+s16], $0x80, s16, s16, $0xb8;
	[tilespmem:$0x1E400] =	vst v63  }
0x23: {  	_ =	swait.ge [sflag:s19], $0x4000  }
0x24: {  	[sflag:s19] =	ssyncset.done $0x0  }
0x25: {  	s24 =	simm.s32 $0x1400;
	[sflag:s19] =	ssyncadd.s32 $0xFFFFC000  }
0x26: {  	[spmem:s4] =	stream.indirect.scatter.add.f32 [tilespmem:s17], [sflag:$0x3], $0x80, s24, s16, $0xb8;
	[tilespmem:$0x1E400] =	vst v63  }
0x27: {  	_ =	swait.ge [sflag:s14], $0x4000  }
0x28: {  	[sflag:s14] =	ssyncset.done $0x0  }
0x29: {  	s30 =	simm.s32 $0x100;
	[sflag:s14] =	ssyncadd.s32 $0xFFFFC000  }
0x2a: {  	[tilespmem:s17], [sflag:$0x1] =	stream.indirect.gather [hbm4b:s0+s16], $0x80, s30, s16, $0xb8;
	[tilespmem:$0x1E400] =	vst v63  }
0x2b: {  	_ =	swait.ge [sflag:s20], $0x4000  }
0x2c: {  	[sflag:s20] =	ssyncset.done $0x0  }
0x2d: {  	s31 =	simm.s32 $0x1480;
	[sflag:s20] =	ssyncadd.s32 $0xFFFFC000  }
0x2e: {  	[spmem:s4] =	stream.indirect.scatter.add.f32 [tilespmem:s18], [sflag:$0x3], $0x80, s31, s16, $0xb8;
	[tilespmem:$0x1E400] =	vst v63  }
0x2f: {  	_ =	swait.ge [sflag:s14], $0x4000  }
0x30: {  	[sflag:s14] =	ssyncset.done $0x0  }
0x31: {  	s25 =	simm.s32 $0x180;
	s24 =	simm.s32 $0x400;
	[sflag:s14] =	ssyncadd.s32 $0xFFFFC000  }
.LBB2_2:
0x32: {  	[tilespmem:s18], [sflag:$0x2] =	stream.indirect.gather [hbm4b:s0+s16], $0x80, s25, s16, $0xb8;
	[tilespmem:$0x1E400] =	vst v63  }
0x33: {  	s25 =	smov.u32 s24  }
0x34: {  	p0 =	sne.s32 s24, $0x4800;
	s24 =	sadd.s32 $0x400, s24;
	_ =	swait.ge [sflag:s19], $0x4000  }
0x35: {  	s25 =	sshra.s32 s25, $0x2;
	[sflag:s19] =	ssyncset.done $0x0  }
0x36: {  	s26 =	sadd.s32 $0x1400, s25;
	[sflag:s19] =	ssyncadd.s32 $0xFFFFC000  }
0x37: {  	[spmem:s4] =	stream.indirect.scatter.add.f32 [tilespmem:s17], [sflag:$0x3], $0x80, s26, s16, $0xb8;
	[tilespmem:$0x1E400] =	vst v63  }
0x38: {  	_ =	swait.ge [sflag:s14], $0x4000  }
0x39: {  	[sflag:s14] =	ssyncset.done $0x0  }
0x3a: {  	s26 =	sadd.s32 $0x100, s25;
	[sflag:s14] =	ssyncadd.s32 $0xFFFFC000  }
0x3b: {  	[tilespmem:s17], [sflag:$0x1] =	stream.indirect.gather [hbm4b:s0+s16], $0x80, s26, s16, $0xb8;
	[tilespmem:$0x1E400] =	vst v63  }
0x3c: {  	_ =	swait.ge [sflag:s20], $0x4000  }
0x3d: {  	[sflag:s20] =	ssyncset.done $0x0  }
.Ltmp0:
0x3e: {  	s26 =	sadd.s32 $0x1480, s25;
	[sflag:s20] =	ssyncadd.s32 $0xFFFFC000;
	(pc) =	sbr.rel @p0 .LBB2_2-.Ltmp0, $4  }
0x3f: {  	[spmem:s4] =	stream.indirect.scatter.add.f32 [tilespmem:s18], [sflag:$0x3], $0x80, s26, s16, $0xb8;
	[tilespmem:$0x1E400] =	vst v63  }
0x40: {  	_ =	swait.ge [sflag:s14], $0x4000  }
0x41: {  	[sflag:s14] =	ssyncset.done $0x0  }
0x42: {  	s25 =	sadd.s32 $0x180, s25;
	[sflag:s14] =	ssyncadd.s32 $0xFFFFC000  }
0x43: {  	[tilespmem:s18], [sflag:$0x2] =	stream.indirect.gather [hbm4b:s0+s16], $0x80, s25, s16, $0xb8;
	[tilespmem:$0x1E400] =	vst v63  }
0x44: {  	_ =	swait.ge [sflag:s19], $0x4000  }
0x45: {  	[sflag:s19] =	ssyncset.done $0x0  }
0x46: {  	[sflag:s19] =	ssyncadd.s32 $0xFFFFC000  }
0x47: {  	[spmem:s4] =	stream.indirect.scatter.add.f32 [tilespmem:s17], [sflag:$0x3], $0x80, s21, s16, $0xb8;
	[tilespmem:$0x1E400] =	vst v63  }
0x48: {  	_ =	swait.ge [sflag:s14], $0x4000  }
0x49: {  	[sflag:s14] =	ssyncset.done $0x0  }
0x4a: {  	[sflag:s14] =	ssyncadd.s32 $0xFFFFC000  }
0x4b: {  	_ =	swait.ge [sflag:s20], $0x4000  }
0x4c: {  	[sflag:s20] =	ssyncset.done $0x0  }
0x4d: {  	[sflag:s20] =	ssyncadd.s32 $0xFFFFC000  }
0x4e: {  	[spmem:s4] =	stream.indirect.scatter.add.f32 [tilespmem:s18], [sflag:$0x3], $0x80, s22, s16, $0xb8;
	[tilespmem:$0x1E400] =	vst v63  }
0x4f: {  	_ =	swait.ge [sflag:s14], $0x4000  }
0x50: {  	[sflag:s14] =	ssyncset.done $0x0  }
0x51: {  	s24 =	simm.s32 $0x0;
	[sflag:s14] =	ssyncadd.s32 $0xFFFFC000  }
0x52: {  	[tilespmem:s24], [sflag:$0x3] =	stream.linear.gather [hbm4b:s9+s24], $0x1400, $0x38;
	[tilespmem:$0x1E400] =	vst v63  }
0x53: {  	_ =	swait.ge [sflag:s14], $0x1400  }
0x54: {  	[sflag:s14] =	ssyncset.done $0x0  }
0x55: {  	[sflag:s14] =	ssyncadd.s32 $0xFFFFEC00  }
0x56: {  	[tilespmem:s15], [sflag:$0x3] =	stream.linear.gather [hbm4b:s10+s24], $0x1400, $0x38;
	[tilespmem:$0x1E400] =	vst v63  }
0x57: {  	_ =	swait.ge [sflag:s14], $0x1400  }
0x58: {  	[sflag:s14] =	ssyncset.done $0x0  }
0x59: {  	[sflag:s14] =	ssyncadd.s32 $0xFFFFEC00  }
0x5a: {  	[tilespmem:s17], [sflag:$0x1] =	stream.indirect.gather [hbm4b:s0+s16], $0x80, s24, s16, $0xb8;
	[tilespmem:$0x1E400] =	vst v63  }
0x5b: {  	_ = 	snop  }
0x5c: {  	[tilespmem:s18], [sflag:$0x2] =	stream.indirect.gather [hbm4b:s0+s16], $0x80, s16, s16, $0xb8;
	[tilespmem:$0x1E400] =	vst v63  }
0x5d: {  	_ =	swait.ge [sflag:s19], $0x4000  }
0x5e: {  	[sflag:s19] =	ssyncset.done $0x0  }
0x5f: {  	s29 =	simm.s32 $0x1400;
	[sflag:s19] =	ssyncadd.s32 $0xFFFFC000  }
0x60: {  	[spmem:s4] =	stream.indirect.scatter.add.f32 [tilespmem:s17], [sflag:$0x3], $0x80, s29, s16, $0xb8;
	[tilespmem:$0x1E400] =	vst v63  }
0x61: {  	_ =	swait.ge [sflag:s14], $0x4000  }
0x62: {  	[sflag:s14] =	ssyncset.done $0x0  }
0x63: {  	s30 =	simm.s32 $0x100;
	[sflag:s14] =	ssyncadd.s32 $0xFFFFC000  }
0x64: {  	[tilespmem:s17], [sflag:$0x1] =	stream.indirect.gather [hbm4b:s0+s16], $0x80, s30, s16, $0xb8;
	[tilespmem:$0x1E400] =	vst v63  }
0x65: {  	_ =	swait.ge [sflag:s20], $0x4000  }
0x66: {  	[sflag:s20] =	ssyncset.done $0x0  }
0x67: {  	s31 =	simm.s32 $0x1480;
	[sflag:s20] =	ssyncadd.s32 $0xFFFFC000  }
0x68: {  	[spmem:s4] =	stream.indirect.scatter.add.f32 [tilespmem:s18], [sflag:$0x3], $0x80, s31, s16, $0xb8;
	[tilespmem:$0x1E400] =	vst v63  }
0x69: {  	_ =	swait.ge [sflag:s14], $0x4000  }
0x6a: {  	[sflag:s14] =	ssyncset.done $0x0  }
0x6b: {  	s25 =	simm.s32 $0x180;
	s24 =	simm.s32 $0x400;
	[sflag:s14] =	ssyncadd.s32 $0xFFFFC000  }
.LBB2_4:
0x6c: {  	[tilespmem:s18], [sflag:$0x2] =	stream.indirect.gather [hbm4b:s0+s16], $0x80, s25, s16, $0xb8;
	[tilespmem:$0x1E400] =	vst v63  }
0x6d: {  	s25 =	smov.u32 s24  }
0x6e: {  	p0 =	sne.s32 s24, $0x4800;
	s24 =	sadd.s32 $0x400, s24;
	_ =	swait.ge [sflag:s19], $0x4000  }
0x6f: {  	s25 =	sshra.s32 s25, $0x2;
	[sflag:s19] =	ssyncset.done $0x0  }
0x70: {  	s26 =	sadd.s32 $0x1400, s25;
	[sflag:s19] =	ssyncadd.s32 $0xFFFFC000  }
0x71: {  	[spmem:s4] =	stream.indirect.scatter.add.f32 [tilespmem:s17], [sflag:$0x3], $0x80, s26, s16, $0xb8;
	[tilespmem:$0x1E400] =	vst v63  }
0x72: {  	_ =	swait.ge [sflag:s14], $0x4000  }
0x73: {  	[sflag:s14] =	ssyncset.done $0x0  }
0x74: {  	s26 =	sadd.s32 $0x100, s25;
	[sflag:s14] =	ssyncadd.s32 $0xFFFFC000  }
0x75: {  	[tilespmem:s17], [sflag:$0x1] =	stream.indirect.gather [hbm4b:s0+s16], $0x80, s26, s16, $0xb8;
	[tilespmem:$0x1E400] =	vst v63  }
0x76: {  	_ =	swait.ge [sflag:s20], $0x4000  }
0x77: {  	[sflag:s20] =	ssyncset.done $0x0  }
.Ltmp1:
0x78: {  	s26 =	sadd.s32 $0x1480, s25;
	[sflag:s20] =	ssyncadd.s32 $0xFFFFC000;
	(pc) =	sbr.rel @p0 .LBB2_4-.Ltmp1, $4  }
0x79: {  	[spmem:s4] =	stream.indirect.scatter.add.f32 [tilespmem:s18], [sflag:$0x3], $0x80, s26, s16, $0xb8;
	[tilespmem:$0x1E400] =	vst v63  }
0x7a: {  	_ =	swait.ge [sflag:s14], $0x4000  }
0x7b: {  	[sflag:s14] =	ssyncset.done $0x0  }
0x7c: {  	s25 =	sadd.s32 $0x180, s25;
	[sflag:s14] =	ssyncadd.s32 $0xFFFFC000  }
0x7d: {  	[tilespmem:s18], [sflag:$0x2] =	stream.indirect.gather [hbm4b:s0+s16], $0x80, s25, s16, $0xb8;
	[tilespmem:$0x1E400] =	vst v63  }
0x7e: {  	_ =	swait.ge [sflag:s19], $0x4000  }
0x7f: {  	[sflag:s19] =	ssyncset.done $0x0  }
0x80: {  	[sflag:s19] =	ssyncadd.s32 $0xFFFFC000  }
0x81: {  	[spmem:s4] =	stream.indirect.scatter.add.f32 [tilespmem:s17], [sflag:$0x3], $0x80, s21, s16, $0xb8;
	[tilespmem:$0x1E400] =	vst v63  }
0x82: {  	_ =	swait.ge [sflag:s14], $0x4000  }
0x83: {  	[sflag:s14] =	ssyncset.done $0x0  }
0x84: {  	[sflag:s14] =	ssyncadd.s32 $0xFFFFC000  }
0x85: {  	_ =	swait.ge [sflag:s20], $0x4000  }
0x86: {  	[sflag:s20] =	ssyncset.done $0x0  }
0x87: {  	[sflag:s20] =	ssyncadd.s32 $0xFFFFC000  }
0x88: {  	[spmem:s4] =	stream.indirect.scatter.add.f32 [tilespmem:s18], [sflag:$0x3], $0x80, s22, s16, $0xb8;
	[tilespmem:$0x1E400] =	vst v63  }
0x89: {  	_ =	swait.ge [sflag:s14], $0x4000  }
0x8a: {  	s23 =	sadd.s32 $0x1, s23;
	[sflag:s14] =	ssyncset.done $0x0  }
0x8b: {  	p0 =	sne.s32 s23, s12;
	[sflag:s14] =	ssyncadd.s32 $0xFFFFC000  }
.Ltmp2:
0x8c: {  	[bflag:$0x0] =	sbarrier.arrive $0xFFFF;
	(pc) =	sbr.rel @p0 .LBB2_1-.Ltmp2, $4  }
0x8d: {  	[hbm:s11], [sflag:s6] =	dma.local [spmem:s13], $0x2780  }
0x8e: {  	_ =	swait.ge [sflag:s14], $0x2780  }
0x8f: {  	[sflag:s14] =	ssyncset.done $0x0  }
0x90: {  	[sflag:s14] =	ssyncadd.s32 $0xFFFFD880  }
0x91: {  	_ =	sfence.sel $0x180000  }
0x92: {  	[bflag:$0x0] =	sbarrier.arrive $0xFFFF  }
0x93: {  	p0 =	sne.s32 s2, $0x0;
	_ =	strace $0x90000047  }
0x94: {  	s0 =	sadd.s32 @!p0 $0x100000, s1;
	[bflag:$0x2] =	sbarrier.arrive $0xFFFF  }
0x95: {  	[sflag:s0] =	ssyncadd.tile.s32 @!p0 $0x1;
	_ =	shalt  }
.Lfunc_end2:
_tile_overlayer_lowered:
.L_overlay_start_2:
0x96: {  	(tag) =	ssettag $0x2  }
0x97: {  	s0 =	rddreg [dreg:$0x0];
	s2 =	stileid.u32  }
0x98: {  	s1 =	rddreg [dreg:$0x1];
	p0 =	sne.s32 s2, $0x0  }
0x99: {  	s3 =	rddreg [dreg:$0x2];
	[bflag:$0x3] =	sbarrier.arrive $0xFFFF;
	s2 =	simm.s32 @!p0 $0x1C03  }
0x9a: {  	[timem:s3], [sflag:s2] =	dma.local @!p0 [hbm:s0], s1  }
0x9b: {  	s0 =	simm.s32 @!p0 $0x3  }
0x9c: {  	_ =	swait.ge @!p0 [sflag:s0], s1  }
0x9d: {  	s1 =	ssub.s32 @!p0 $0x0, s1;
	[sflag:s0] =	ssyncset.done @!p0 $0x0  }
0x9e: {  	[sflag:s0] =	ssyncadd.s32 @!p0 s1  }
0x9f: {  	[bflag:$0x3] =	sbarrier.arrive $0xFFFF  }
0xa0: {  	_ =	shalt  }

// kernel: kernel.9.cloned.1.call-start
scs
__scs_entry_jumppad:
0x0: {  	(pc) =	sbr.rel $0x88, $3  }
0x1: {  	(tag) =	ssettag $0x0;
	lr =	simm.s32 $0x1  }
0x2: {  	[smem:$0x3F93] =	sst lr;
	_ =	strace $0xD0000000  }
0x3: {  	_ = 	snop  }
0x4: {  	_ = 	snop  }
0x5: {  	_ = 	snop  }
0x6: {  	_ = 	snop  }
0x7: {  	_ = 	snop  }
__scs_overlays_trampoline_lowered:
0x8: {  	[smem:$0x3FA2] =	sst s0  }
0x9: {  	[smem:$0x3FA3] =	sst s1  }
0xa: {  	[smem:$0x3FA4] =	sst s2  }
0xb: {  	[smem:$0x3FA5] =	sst s3  }
0xc: {  	[smem:$0x3FA6] =	sst s4  }
0xd: {  	[smem:$0x3FA7] =	sst s5  }
0xe: {  	[smem:$0x3FA8] =	sst s6  }
0xf: {  	[smem:$0x3FA9] =	sst s7  }
0x10: {  	[smem:$0x3FAA] =	sst s8  }
0x11: {  	[smem:$0x3FAB] =	sst s9;
	s0 =	simm.s32 @!p0 $0x0  }
0x12: {  	s1 =	sld [smem:$0x3F91];
	s0 =	simm.s32 @p0 $0x1  }
0x13: {  	[smem:$0x3FAC] =	sst s0;
	s0 =	simm.s32 @!p1 $0x0  }
0x14: {  	s2 =	sld [smem:$0x3F90];
	s0 =	simm.s32 @p1 $0x1  }
0x15: {  	[smem:$0x3FAD] =	sst s0;
	s0 =	simm.s32 @!p2 $0x0  }
0x16: {  	s3 =	sld [smem:$0x3FDB];
	s0 =	simm.s32 @p2 $0x1  }
0x17: {  	s4 =	simm.s32 $0x1BF5;
	[smem:$0x3FAF] =	sst s0  }
0x18: {  	s0 =	sld [smem:$0x3F92];
	_ =	swait.ge [sflag:s4], $0x0  }
0x19: {  	s7 =	sld [smem:$0x3F93]  }
0x1a: {  	s8 =	sadd.s32 $0xFFFFE003, lr  }
0x1b: {  	s9 =	sadd.s32 $0xFFFFFEF7, lr;
	s5 =	simm.s32 $0xFFFFFFFF;
	p2 =	slt.u32 s8, $0xFFFFF086  }
0x1c: {  	p1 =	slt.u32 s9, $0xF7A;
	s5 =	simm.s32 @!p2 $0x0  }
0x1d: {  	s5 =	simm.s32 @p1 $0x1;
	p0 =	seq.s32 s7, s2  }
0x1e: {  	s7 =	smul.u32 @!p0 $0xF7A, s2;
	p2 =	seq.s32 @!p0 s5, $0x0  }
0x1f: {  	s9 =	smul.u32 $0xF7A, s1;
	s8 =	simm.s32 @!p0 $0x1BF5;
	p2 =	por !p2, p0  }
0x20: {  	[sflag:s8] =	ssyncset.s32 @!p0 $0xFFFFF086;
	s6 =	sadd.s32 @!p0 s3, s7;
	s7 =	simm.s32 @!p0 $0x108  }
0x21: {  	s3 =	sadd.s32 s3, s9;
	s6 =	sadd.s32 @!p0 $0x88, s6;
	s7 =	simm.s32 @p2 $0x1082  }
0x22: {  	[simem:s7], [sflag:s8] =	dma.local @!p0 [hbm:s6], $0xF7A  }
0x23: {  	s9 =	sor.u32 $0xD0000000, s2;
	s6 =	simm.s32 $0x108;
	_ =	swait.ge @!p0 [sflag:s8], $0x0  }
0x24: {  	s3 =	sadd.s32 $0x88, s3;
	s6 =	simm.s32 @!p1 $0x1082;
	[sflag:s4] =	ssyncset.s32 $0xFFFFF086  }
0x25: {  	[simem:s6], [sflag:s4] =	dma.local [hbm:s3], $0xF7A  }
0x26: {  	[smem:$0x3F93] =	sst s1;
	(tag) =	ssettag s2;
	_ =	strace s9  }
0x27: {  	s1 =	sld [smem:$0x3FA3]  }
0x28: {  	s2 =	sld [smem:$0x3FA4]  }
0x29: {  	s4 =	sld [smem:$0x3FA6]  }
0x2a: {  	p0 =	seq.s32 s5, $0x0;
	s5 =	sld [smem:$0x3FA7]  }
0x2b: {  	s6 =	sld [smem:$0x3FA8]  }
0x2c: {  	s7 =	sld [smem:$0x3FA9]  }
0x2d: {  	s3 =	simm.s32 $0x108;
	s8 =	sld [smem:$0x3FAA]  }
0x2e: {  	s3 =	simm.s32 @!p0 $0x1082;
	s9 =	sld [smem:$0x3FAB]  }
0x2f: {  	lr =	sadd.s32 s0, s3;
	s0 =	sld [smem:$0x3FA2]  }
0x30: {  	s3 =	sld [smem:$0x3FA5]  }
0x31: {  	[smem:$0x3FAE] =	sst s10  }
0x32: {  	s10 =	sld [smem:$0x3FAC];
	_ =	sdelay $0x3  }
0x33: {  	p0 =	seq.s32 s10, $0x1;
	s10 =	sld [smem:$0x3FAE];
	_ =	sdelay $0x3  }
0x34: {  	[smem:$0x3FAE] =	sst s10  }
0x35: {  	s10 =	sld [smem:$0x3FAD];
	_ =	sdelay $0x3  }
0x36: {  	p1 =	seq.s32 s10, $0x1;
	s10 =	sld [smem:$0x3FAE];
	_ =	sdelay $0x3  }
0x37: {  	[smem:$0x3FAE] =	sst s10  }
0x38: {  	s10 =	sld [smem:$0x3FAF]  }
0x39: {  	_ = 	snop;
	(pc) =	sbr.ind lr, $3  }
0x3a: {  	_ = 	snop  }
0x3b: {  	_ = 	snop  }
0x3c: {  	p2 =	seq.s32 s10, $0x1;
	s10 =	sld [smem:$0x3FAE]  }
0x3d: {  	_ =	shalt  }
0x3e: {  	_ =	shalt  }
0x3f: {  	_ =	shalt  }
0x40: {  	_ =	shalt  }
0x41: {  	_ =	shalt  }
0x42: {  	_ =	shalt  }
0x43: {  	_ =	shalt  }
0x44: {  	_ =	shalt  }
0x45: {  	_ =	shalt  }
0x46: {  	_ =	shalt  }
0x47: {  	_ =	shalt  }
0x48: {  	_ =	shalt  }
0x49: {  	_ =	shalt  }
0x4a: {  	_ =	shalt  }
0x4b: {  	_ =	shalt  }
0x4c: {  	_ =	shalt  }
0x4d: {  	_ =	shalt  }
0x4e: {  	_ =	shalt  }
0x4f: {  	_ =	shalt  }
0x50: {  	_ =	shalt  }
0x51: {  	_ =	shalt  }
0x52: {  	_ =	shalt  }
0x53: {  	_ =	shalt  }
0x54: {  	_ =	shalt  }
0x55: {  	_ =	shalt  }
0x56: {  	_ =	shalt  }
0x57: {  	_ =	shalt  }
0x58: {  	_ =	shalt  }
0x59: {  	_ =	shalt  }
0x5a: {  	_ =	shalt  }
0x5b: {  	_ =	shalt  }
0x5c: {  	_ =	shalt  }
0x5d: {  	_ =	shalt  }
0x5e: {  	_ =	shalt  }
0x5f: {  	_ =	shalt  }
0x60: {  	_ =	shalt  }
0x61: {  	_ =	shalt  }
0x62: {  	_ =	shalt  }
0x63: {  	_ =	shalt  }
0x64: {  	_ =	shalt  }
0x65: {  	_ =	shalt  }
0x66: {  	_ =	shalt  }
0x67: {  	_ =	shalt  }
0x68: {  	_ =	shalt  }
0x69: {  	_ =	shalt  }
0x6a: {  	_ =	shalt  }
0x6b: {  	_ =	shalt  }
0x6c: {  	_ =	shalt  }
0x6d: {  	_ =	shalt  }
0x6e: {  	_ =	shalt  }
0x6f: {  	_ =	shalt  }
0x70: {  	_ =	shalt  }
0x71: {  	_ =	shalt  }
0x72: {  	_ =	shalt  }
0x73: {  	_ =	shalt  }
0x74: {  	_ =	shalt  }
0x75: {  	_ =	shalt  }
0x76: {  	_ =	shalt  }
0x77: {  	_ =	shalt  }
0x78: {  	_ =	shalt  }
0x79: {  	_ =	shalt  }
0x7a: {  	_ =	shalt  }
0x7b: {  	_ =	shalt  }
0x7c: {  	_ =	shalt  }
0x7d: {  	_ =	shalt  }
0x7e: {  	_ =	shalt  }
0x7f: {  	_ =	shalt  }
0x80: {  	_ =	shalt  }
0x81: {  	_ =	shalt  }
0x82: {  	_ =	shalt  }
0x83: {  	_ =	shalt  }
0x84: {  	_ =	shalt  }
0x85: {  	_ =	shalt  }
0x86: {  	_ =	shalt  }
0x87: {  	_ =	shalt  }
.Lfunc_end0:
.L_simem_size_0:
called_computation.1_lowered:
.L_overlay_start_0:
0x88: {  	s2 =	sld [smem:$0x3FD9]  }
0x89: {  	s3 =	sld [smem:$0x3FFE];
	_ =	sdelay $0x1  }
0x8a: {  	s1 =	srdreg.scid  }
0x8b: {  	s0 =	sand.u32 $0x1, s1  }
0x8c: {  	s17 =	sshll.u32 s0, $0xA;
	s2 =	sadd.s32 s3, s2  }
0x8d: {  	s2 =	sadd.s32 s2, s17  }
0x8e: {  	[smem:$0x3FBA] =	sst s2  }
0x8f: {  	_ = 	snop  }
0x90: {  	s2 =	sld [smem:$0x3FD0];
	(tm) =	ssettm $0x1  }
0x91: {  	s18 =	sld [smem:$0x3FFB];
	_ =	sdelay $0x3  }
0x92: {  	_ =	strace s18  }
0x93: {  	s3 =	sld [smem:$0x3FFC];
	_ =	sdelay $0x3  }
0x94: {  	_ =	strace s3  }
0x95: {  	s3 =	sld [smem:$0x3FFD];
	_ =	sdelay $0x3  }
0x96: {  	_ =	strace s3  }
0x97: {  	_ =	strace $0x8FFFFFFF  }
0x98: {  	s19 =	sld [smem:$0x3FDB];
	_ =	sdelay $0x1  }
0x99: {  	s4 =	simm.s32 $_scs_section_size  }
0x9a: {  	s5 =	simm.s32 $_size__tile_overlayer_lowered;
	s6 =	simm.s32 $_tile_overlayer_lowered  }
0x9b: {  	s22 =	simm.s32 $0x1BFF;
	s21 =	sshll.u32 s6, $0x1;
	s3 =	sadd.s32 s4, s19  }
0x9c: {  	s7 =	simm.s32 $0x0;
	s20 =	sshll.u32 s5, $0x1;
	s5 =	sadd.s32 s21, s3  }
0x9d: {  	[timem:s7], [sflag:s22] =	dma.local [hbm:s5], s20  }
0x9e: {  	_ =	swait.ge [sflag:s22], s20  }
0x9f: {  	s4 =	ssub.s32 $0x0, s20;
	[sflag:s22] =	ssyncset.done $0x0  }
0xa0: {  	[sflag:s22] =	ssyncadd.s32 s4;
	_ =	sdelay $0x1  }
0xa1: {  	s23 =	simm.s32 $0x1B8B  }
0xa2: {  	_ =	swait.ge [sflag:s23], $0x1  }
0xa3: {  	[sflag:s23] =	ssyncset.done $0x0  }
0xa4: {  	s25 =	simm.s32 $0x1B8E;
	s24 =	sld [smem:$0x3FFE];
	[sflag:s23] =	ssyncadd.s32 $0xFFFFFFFF  }
0xa5: {  	s26 =	simm.s32 $execute0_lowered;
	[smem:$0x3FD2] =	sst s25  }
0xa6: {  	s5 =	sshll.u32 s26, $0x1;
	_ =	strace $0x80000049;
	[dreg:$0x1] =	wrdreg $0xFFFFFFFF  }
0xa7: {  	s28 =	simm.s32 $_size_execute0_lowered;
	s3 =	sadd.s32 s3, s5;
	[dreg:$0x0] =	wrdreg $0x0  }
0xa8: {  	s5 =	sshll.u32 s28, $0x1;
	[dreg:$0x2] =	wrdreg s3  }
0xa9: {  	[dreg:$0x3] =	wrdreg s5  }
0xaa: {  	[dreg:$0x4] =	wrdreg $0xC0  }
0xab: {  	_ =	task [dreg:s7], $0x5FFFF  }
0xac: {  	[dreg:$0x1] =	wrdreg $0xFFFFFFFF  }
0xad: {  	[dreg:$0x0] =	wrdreg $0x60  }
0xae: {  	[dreg:$0x2] =	wrdreg s24  }
0xaf: {  	[dreg:$0x3] =	wrdreg s2  }
0xb0: {  	[dreg:$0x4] =	wrdreg $0xA8000  }
0xb1: {  	[dreg:$0x5] =	wrdreg $0x9  }
0xb2: {  	_ =	task.clear_ibuf [dreg:s7], $0x6FFFF;
	_ =	strace $0x90000049  }
0xb3: {  	s29 =	simm.s32 $0x9;
	_ =	strace $0x8000004B  }
0xb4: {  	_ =	swait.ge [sflag:s29], $0x1  }
0xb5: {  	[sflag:s29] =	ssyncadd.s32 $0xFFFFFFFF  }
0xb6: {  	_ =	strace $0x9000004B  }
0xb7: {  	_ =	sfence  }
0xb8: {  	s30 =	sld [smem:$0x0];
	_ =	sdelay $0x2  }
0xb9: {  	s31 =	sshll.u32 s1, $0xD;
	s1 =	sshrl.u32 s1, $0x2  }
0xba: {  	s3 =	sand.u32 $0x4000, s31;
	s1 =	sadd.s32 s1, s30  }
0xbb: {  	s0 =	sor.u32 s3, s0;
	s1 =	sshll.u32 s1, $0x11  }
0xbc: {  	s0 =	sor.u32 s1, s0  }
0xbd: {  	s0 =	sadd.s32 $0x8F2B, s0  }
0xbe: {  	[sflag:s0] =	ssyncadd.remote.s32 $0x1  }
0xbf: {  	_ =	sfence.sel $0xFFFF  }
0xc0: {  	[dreg:$0x0] =	wrdreg $0xFFFFFFFF;
	(pc) =	sbr.abs _section_cstart, $3  }
0xc1: {  	[dreg:$0x1] =	wrdreg $0xFFFFFFFF  }
0xc2: {  	_ =	task.clear_ibuf [dreg:s7], $0x2FFFF;
	_ =	strace $0x9FFFFFFF  }
0xc3: {  	(tm) =	ssettm $0x7FFFFFFF  }
tec
execute0_lowered:
.L_overlay_start_1:
0x0: {  	(tag) =	ssettag $0x1  }
0x1: {  	s6 =	rddreg [dreg:$0x0]  }
0x2: {  	s1 =	rddreg [dreg:$0x1]  }
0x3: {  	s2 =	rddreg [dreg:$0x2]  }
0x4: {  	s3 =	srdreg.scid;
	s0 =	rddreg [dreg:$0x3];
	s4 =	simm.s32 $0x0  }
0x5: {  	s16 =	simm.s32 $0x80;
	s17 =	simm.s32 $0x2800;
	s18 =	simm.s32 $0x6800  }
0x6: {  	s19 =	simm.s32 $0x1;
	s20 =	simm.s32 $0x2;
	s21 =	simm.s32 $0x2700  }
0x7: {  	s22 =	simm.s32 $0x2780;
	s23 =	simm.s32 $0x0;
	s7 =	sand.u32 $0x1, s3  }
0x8: {  	s3 =	stileid.u32;
	[smem:$0x7FF] =	sst s4;
	s5 =	sadd.s32 $0x16A00, s6  }
0x9: {  	s10 =	sadd.s32 $0x2A00, s6;
	s11 =	sadd.s32 $0xCA00, s6;
	s8 =	smul.u32 $0x13C000, s7  }
0xa: {  	s9 =	smul.u32 $0x13C00, s3;
	_ =	strace $0x8000004A;
	s25 =	sshll.u32 s7, $0x4  }
0xb: {  	s7 =	ssub.s32 $0x2, s7;
	s12 =	smul.u32 $0x4F000, s3;
	s30 =	sshll.u32 s3, $0x6  }
0xc: {  	s26 =	sshrl.u32 s7, $0x1;
	s8 =	sadd.s32 s9, s8;
	s9 =	sor.u32 s3, s25  }
0xd: {  	s14 =	ssub.s32 s7, s26;
	s29 =	sshrl.u32 s12, $0x2;
	s28 =	smul.u32 $0x2800, s9  }
0xe: {  	s8 =	sshrl.u32 s8, $0x3;
	s15 =	sadd.s32 s29, s2;
	s12 =	smax.u32 s14, $0x1  }
0xf: {  	s14 =	simm.s32 $0x3;
	s13 =	sadd.s32 s8, s6;
	s9 =	sshrl.u32 s28, $0x3  }
0x10: {  	s6 =	sor.u32 $0x1C03, s30;
	s7 =	sadd.s32 s10, s9;
	s31 =	sadd.s32 $0x280, s9  }
0x11: {  	s8 =	sadd.s32 s11, s9;
	s9 =	sadd.s32 s10, s31;
	s10 =	sadd.s32 s11, s31  }
0x12: {  	s11 =	sadd.s32 $0x3DC00, s13;
	s13 =	sshrl.u32 s15, $0x3;
	s15 =	simm.s32 $0x1400  }
.LBB2_1:
0x13: {  	[spmem:s13], [sflag:s6] =	dma.local [hbm:s1], $0x2780  }
0x14: {  	_ =	swait.ge [sflag:s14], $0x2780  }
0x15: {  	[sflag:s14] =	ssyncset.done $0x0  }
0x16: {  	[sflag:s14] =	ssyncadd.s32 $0xFFFFD880  }
0x17: {  	[bflag:$0x0] =	sbarrier.arrive $0xFFFF  }
0x18: {  	[tilespmem:s4], [sflag:$0x3] =	stream.linear.gather [hbm4b:s7+s4], $0x1400, $0x38;
	[tilespmem:$0x1E400] =	vst v63  }
0x19: {  	_ =	swait.ge [sflag:s14], $0x1400  }
0x1a: {  	[sflag:s14] =	ssyncset.done $0x0  }
0x1b: {  	[sflag:s14] =	ssyncadd.s32 $0xFFFFEC00  }
0x1c: {  	[tilespmem:s15], [sflag:$0x3] =	stream.linear.gather [hbm4b:s8+s4], $0x1400, $0x38;
	[tilespmem:$0x1E400] =	vst v63  }
0x1d: {  	_ =	swait.ge [sflag:s14], $0x1400  }
0x1e: {  	[sflag:s14] =	ssyncset.done $0x0  }
0x1f: {  	[sflag:s14] =	ssyncadd.s32 $0xFFFFEC00  }
0x20: {  	[tilespmem:s17], [sflag:$0x1] =	stream.indirect.gather [hbm4b:s5+s16], $0x80, s4, s16, $0xb8;
	[tilespmem:$0x1E400] =	vst v63  }
0x21: {  	_ = 	snop  }
0x22: {  	[tilespmem:s18], [sflag:$0x2] =	stream.indirect.gather [hbm4b:s5+s16], $0x80, s16, s16, $0xb8;
	[tilespmem:$0x1E400] =	vst v63  }
0x23: {  	_ =	swait.ge [sflag:s19], $0x4000  }
0x24: {  	[sflag:s19] =	ssyncset.done $0x0  }
0x25: {  	s24 =	simm.s32 $0x1400;
	[sflag:s19] =	ssyncadd.s32 $0xFFFFC000  }
0x26: {  	[spmem:s2] =	stream.indirect.scatter.add.f32 [tilespmem:s17], [sflag:$0x3], $0x80, s24, s16, $0xb8;
	[tilespmem:$0x1E400] =	vst v63  }
0x27: {  	_ =	swait.ge [sflag:s14], $0x4000  }
0x28: {  	[sflag:s14] =	ssyncset.done $0x0  }
0x29: {  	s30 =	simm.s32 $0x100;
	[sflag:s14] =	ssyncadd.s32 $0xFFFFC000  }
0x2a: {  	[tilespmem:s17], [sflag:$0x1] =	stream.indirect.gather [hbm4b:s5+s16], $0x80, s30, s16, $0xb8;
	[tilespmem:$0x1E400] =	vst v63  }
0x2b: {  	_ =	swait.ge [sflag:s20], $0x4000  }
0x2c: {  	[sflag:s20] =	ssyncset.done $0x0  }
0x2d: {  	s31 =	simm.s32 $0x1480;
	[sflag:s20] =	ssyncadd.s32 $0xFFFFC000  }
0x2e: {  	[spmem:s2] =	stream.indirect.scatter.add.f32 [tilespmem:s18], [sflag:$0x3], $0x80, s31, s16, $0xb8;
	[tilespmem:$0x1E400] =	vst v63  }
0x2f: {  	_ =	swait.ge [sflag:s14], $0x4000  }
0x30: {  	[sflag:s14] =	ssyncset.done $0x0  }
0x31: {  	s25 =	simm.s32 $0x180;
	s24 =	simm.s32 $0x400;
	[sflag:s14] =	ssyncadd.s32 $0xFFFFC000  }
.LBB2_2:
0x32: {  	[tilespmem:s18], [sflag:$0x2] =	stream.indirect.gather [hbm4b:s5+s16], $0x80, s25, s16, $0xb8;
	[tilespmem:$0x1E400] =	vst v63  }
0x33: {  	s25 =	smov.u32 s24  }
0x34: {  	p0 =	sne.s32 s24, $0x4800;
	s24 =	sadd.s32 $0x400, s24;
	_ =	swait.ge [sflag:s19], $0x4000  }
0x35: {  	s25 =	sshra.s32 s25, $0x2;
	[sflag:s19] =	ssyncset.done $0x0  }
0x36: {  	s26 =	sadd.s32 $0x1400, s25;
	[sflag:s19] =	ssyncadd.s32 $0xFFFFC000  }
0x37: {  	[spmem:s2] =	stream.indirect.scatter.add.f32 [tilespmem:s17], [sflag:$0x3], $0x80, s26, s16, $0xb8;
	[tilespmem:$0x1E400] =	vst v63  }
0x38: {  	_ =	swait.ge [sflag:s14], $0x4000  }
0x39: {  	[sflag:s14] =	ssyncset.done $0x0  }
0x3a: {  	s26 =	sadd.s32 $0x100, s25;
	[sflag:s14] =	ssyncadd.s32 $0xFFFFC000  }
0x3b: {  	[tilespmem:s17], [sflag:$0x1] =	stream.indirect.gather [hbm4b:s5+s16], $0x80, s26, s16, $0xb8;
	[tilespmem:$0x1E400] =	vst v63  }
0x3c: {  	_ =	swait.ge [sflag:s20], $0x4000  }
0x3d: {  	[sflag:s20] =	ssyncset.done $0x0  }
.Ltmp0:
0x3e: {  	s26 =	sadd.s32 $0x1480, s25;
	[sflag:s20] =	ssyncadd.s32 $0xFFFFC000;
	(pc) =	sbr.rel @p0 .LBB2_2-.Ltmp0, $4  }
0x3f: {  	[spmem:s2] =	stream.indirect.scatter.add.f32 [tilespmem:s18], [sflag:$0x3], $0x80, s26, s16, $0xb8;
	[tilespmem:$0x1E400] =	vst v63  }
0x40: {  	_ =	swait.ge [sflag:s14], $0x4000  }
0x41: {  	[sflag:s14] =	ssyncset.done $0x0  }
0x42: {  	s25 =	sadd.s32 $0x180, s25;
	[sflag:s14] =	ssyncadd.s32 $0xFFFFC000  }
0x43: {  	[tilespmem:s18], [sflag:$0x2] =	stream.indirect.gather [hbm4b:s5+s16], $0x80, s25, s16, $0xb8;
	[tilespmem:$0x1E400] =	vst v63  }
0x44: {  	_ =	swait.ge [sflag:s19], $0x4000  }
0x45: {  	[sflag:s19] =	ssyncset.done $0x0  }
0x46: {  	[sflag:s19] =	ssyncadd.s32 $0xFFFFC000  }
0x47: {  	[spmem:s2] =	stream.indirect.scatter.add.f32 [tilespmem:s17], [sflag:$0x3], $0x80, s21, s16, $0xb8;
	[tilespmem:$0x1E400] =	vst v63  }
0x48: {  	_ =	swait.ge [sflag:s14], $0x4000  }
0x49: {  	[sflag:s14] =	ssyncset.done $0x0  }
0x4a: {  	[sflag:s14] =	ssyncadd.s32 $0xFFFFC000  }
0x4b: {  	_ =	swait.ge [sflag:s20], $0x4000  }
0x4c: {  	[sflag:s20] =	ssyncset.done $0x0  }
0x4d: {  	[sflag:s20] =	ssyncadd.s32 $0xFFFFC000  }
0x4e: {  	[spmem:s2] =	stream.indirect.scatter.add.f32 [tilespmem:s18], [sflag:$0x3], $0x80, s22, s16, $0xb8;
	[tilespmem:$0x1E400] =	vst v63  }
0x4f: {  	_ =	swait.ge [sflag:s14], $0x4000  }
0x50: {  	[sflag:s14] =	ssyncset.done $0x0  }
0x51: {  	s24 =	simm.s32 $0x0;
	[sflag:s14] =	ssyncadd.s32 $0xFFFFC000  }
0x52: {  	[tilespmem:s24], [sflag:$0x3] =	stream.linear.gather [hbm4b:s9+s24], $0x1400, $0x38;
	[tilespmem:$0x1E400] =	vst v63  }
0x53: {  	_ =	swait.ge [sflag:s14], $0x1400  }
0x54: {  	[sflag:s14] =	ssyncset.done $0x0  }
0x55: {  	[sflag:s14] =	ssyncadd.s32 $0xFFFFEC00  }
0x56: {  	[tilespmem:s15], [sflag:$0x3] =	stream.linear.gather [hbm4b:s10+s24], $0x1400, $0x38;
	[tilespmem:$0x1E400] =	vst v63  }
0x57: {  	_ =	swait.ge [sflag:s14], $0x1400  }
0x58: {  	[sflag:s14] =	ssyncset.done $0x0  }
0x59: {  	[sflag:s14] =	ssyncadd.s32 $0xFFFFEC00  }
0x5a: {  	[tilespmem:s17], [sflag:$0x1] =	stream.indirect.gather [hbm4b:s5+s16], $0x80, s24, s16, $0xb8;
	[tilespmem:$0x1E400] =	vst v63  }
0x5b: {  	_ = 	snop  }
0x5c: {  	[tilespmem:s18], [sflag:$0x2] =	stream.indirect.gather [hbm4b:s5+s16], $0x80, s16, s16, $0xb8;
	[tilespmem:$0x1E400] =	vst v63  }
0x5d: {  	_ =	swait.ge [sflag:s19], $0x4000  }
0x5e: {  	[sflag:s19] =	ssyncset.done $0x0  }
0x5f: {  	s29 =	simm.s32 $0x1400;
	[sflag:s19] =	ssyncadd.s32 $0xFFFFC000  }
0x60: {  	[spmem:s2] =	stream.indirect.scatter.add.f32 [tilespmem:s17], [sflag:$0x3], $0x80, s29, s16, $0xb8;
	[tilespmem:$0x1E400] =	vst v63  }
0x61: {  	_ =	swait.ge [sflag:s14], $0x4000  }
0x62: {  	[sflag:s14] =	ssyncset.done $0x0  }
0x63: {  	s30 =	simm.s32 $0x100;
	[sflag:s14] =	ssyncadd.s32 $0xFFFFC000  }
0x64: {  	[tilespmem:s17], [sflag:$0x1] =	stream.indirect.gather [hbm4b:s5+s16], $0x80, s30, s16, $0xb8;
	[tilespmem:$0x1E400] =	vst v63  }
0x65: {  	_ =	swait.ge [sflag:s20], $0x4000  }
0x66: {  	[sflag:s20] =	ssyncset.done $0x0  }
0x67: {  	s31 =	simm.s32 $0x1480;
	[sflag:s20] =	ssyncadd.s32 $0xFFFFC000  }
0x68: {  	[spmem:s2] =	stream.indirect.scatter.add.f32 [tilespmem:s18], [sflag:$0x3], $0x80, s31, s16, $0xb8;
	[tilespmem:$0x1E400] =	vst v63  }
0x69: {  	_ =	swait.ge [sflag:s14], $0x4000  }
0x6a: {  	[sflag:s14] =	ssyncset.done $0x0  }
0x6b: {  	s25 =	simm.s32 $0x180;
	s24 =	simm.s32 $0x400;
	[sflag:s14] =	ssyncadd.s32 $0xFFFFC000  }
.LBB2_4:
0x6c: {  	[tilespmem:s18], [sflag:$0x2] =	stream.indirect.gather [hbm4b:s5+s16], $0x80, s25, s16, $0xb8;
	[tilespmem:$0x1E400] =	vst v63  }
0x6d: {  	s25 =	smov.u32 s24  }
0x6e: {  	p0 =	sne.s32 s24, $0x4800;
	s24 =	sadd.s32 $0x400, s24;
	_ =	swait.ge [sflag:s19], $0x4000  }
0x6f: {  	s25 =	sshra.s32 s25, $0x2;
	[sflag:s19] =	ssyncset.done $0x0  }
0x70: {  	s26 =	sadd.s32 $0x1400, s25;
	[sflag:s19] =	ssyncadd.s32 $0xFFFFC000  }
0x71: {  	[spmem:s2] =	stream.indirect.scatter.add.f32 [tilespmem:s17], [sflag:$0x3], $0x80, s26, s16, $0xb8;
	[tilespmem:$0x1E400] =	vst v63  }
0x72: {  	_ =	swait.ge [sflag:s14], $0x4000  }
0x73: {  	[sflag:s14] =	ssyncset.done $0x0  }
0x74: {  	s26 =	sadd.s32 $0x100, s25;
	[sflag:s14] =	ssyncadd.s32 $0xFFFFC000  }
0x75: {  	[tilespmem:s17], [sflag:$0x1] =	stream.indirect.gather [hbm4b:s5+s16], $0x80, s26, s16, $0xb8;
	[tilespmem:$0x1E400] =	vst v63  }
0x76: {  	_ =	swait.ge [sflag:s20], $0x4000  }
0x77: {  	[sflag:s20] =	ssyncset.done $0x0  }
.Ltmp1:
0x78: {  	s26 =	sadd.s32 $0x1480, s25;
	[sflag:s20] =	ssyncadd.s32 $0xFFFFC000;
	(pc) =	sbr.rel @p0 .LBB2_4-.Ltmp1, $4  }
0x79: {  	[spmem:s2] =	stream.indirect.scatter.add.f32 [tilespmem:s18], [sflag:$0x3], $0x80, s26, s16, $0xb8;
	[tilespmem:$0x1E400] =	vst v63  }
0x7a: {  	_ =	swait.ge [sflag:s14], $0x4000  }
0x7b: {  	[sflag:s14] =	ssyncset.done $0x0  }
0x7c: {  	s25 =	sadd.s32 $0x180, s25;
	[sflag:s14] =	ssyncadd.s32 $0xFFFFC000  }
0x7d: {  	[tilespmem:s18], [sflag:$0x2] =	stream.indirect.gather [hbm4b:s5+s16], $0x80, s25, s16, $0xb8;
	[tilespmem:$0x1E400] =	vst v63  }
0x7e: {  	_ =	swait.ge [sflag:s19], $0x4000  }
0x7f: {  	[sflag:s19] =	ssyncset.done $0x0  }
0x80: {  	[sflag:s19] =	ssyncadd.s32 $0xFFFFC000  }
0x81: {  	[spmem:s2] =	stream.indirect.scatter.add.f32 [tilespmem:s17], [sflag:$0x3], $0x80, s21, s16, $0xb8;
	[tilespmem:$0x1E400] =	vst v63  }
0x82: {  	_ =	swait.ge [sflag:s14], $0x4000  }
0x83: {  	[sflag:s14] =	ssyncset.done $0x0  }
0x84: {  	[sflag:s14] =	ssyncadd.s32 $0xFFFFC000  }
0x85: {  	_ =	swait.ge [sflag:s20], $0x4000  }
0x86: {  	[sflag:s20] =	ssyncset.done $0x0  }
0x87: {  	[sflag:s20] =	ssyncadd.s32 $0xFFFFC000  }
0x88: {  	[spmem:s2] =	stream.indirect.scatter.add.f32 [tilespmem:s18], [sflag:$0x3], $0x80, s22, s16, $0xb8;
	[tilespmem:$0x1E400] =	vst v63  }
0x89: {  	_ =	swait.ge [sflag:s14], $0x4000  }
0x8a: {  	s23 =	sadd.s32 $0x1, s23;
	[sflag:s14] =	ssyncset.done $0x0  }
0x8b: {  	p0 =	sne.s32 s23, s12;
	[sflag:s14] =	ssyncadd.s32 $0xFFFFC000  }
.Ltmp2:
0x8c: {  	[bflag:$0x0] =	sbarrier.arrive $0xFFFF;
	(pc) =	sbr.rel @p0 .LBB2_1-.Ltmp2, $4  }
0x8d: {  	[hbm:s11], [sflag:s6] =	dma.local [spmem:s13], $0x2780  }
0x8e: {  	_ =	swait.ge [sflag:s14], $0x2780  }
0x8f: {  	[sflag:s14] =	ssyncset.done $0x0  }
0x90: {  	[sflag:s14] =	ssyncadd.s32 $0xFFFFD880  }
0x91: {  	_ =	sfence.sel $0x180000  }
0x92: {  	[bflag:$0x0] =	sbarrier.arrive $0xFFFF  }
0x93: {  	p0 =	sne.s32 s3, $0x0;
	_ =	strace $0x9000004A  }
0x94: {  	s0 =	sadd.s32 @!p0 $0x100000, s0;
	[bflag:$0x2] =	sbarrier.arrive $0xFFFF  }
0x95: {  	[sflag:s0] =	ssyncadd.tile.s32 @!p0 $0x1;
	_ =	shalt  }
.Lfunc_end2:
_tile_overlayer_lowered:
.L_overlay_start_2:
0x96: {  	(tag) =	ssettag $0x2  }
0x97: {  	s0 =	rddreg [dreg:$0x0];
	s2 =	stileid.u32  }
0x98: {  	s1 =	rddreg [dreg:$0x1];
	p0 =	sne.s32 s2, $0x0  }
0x99: {  	s3 =	rddreg [dreg:$0x2];
	[bflag:$0x3] =	sbarrier.arrive $0xFFFF;
	s2 =	simm.s32 @!p0 $0x1C03  }
0x9a: {  	[timem:s3], [sflag:s2] =	dma.local @!p0 [hbm:s0], s1  }
0x9b: {  	s0 =	simm.s32 @!p0 $0x3  }
0x9c: {  	_ =	swait.ge @!p0 [sflag:s0], s1  }
0x9d: {  	s1 =	ssub.s32 @!p0 $0x0, s1;
	[sflag:s0] =	ssyncset.done @!p0 $0x0  }
0x9e: {  	[sflag:s0] =	ssyncadd.s32 @!p0 s1  }
0x9f: {  	[bflag:$0x3] =	sbarrier.arrive $0xFFFF  }
0xa0: {  	_ =	shalt  }

</sc_bundles>
